<compile_context>
chip_gen: v7x
topology: tpu7x:2x2x1
jax: 0.10.2.dev20260603
libtpu: 0.0.44.dev20260713+nightly
codegen_flags: <defaults>
</compile_context>

<pallas_src>
import functools

import jax
import jax.numpy as jnp
from jax import lax
from jax.experimental import pallas as pl
from jax.experimental.pallas import tpu as pltpu
from jax.experimental.pallas import tpu_sc as plsc

_MAXD = 16
_D = 32
_B = 16384
_BSC = 8192
_BB = 2048


def _sc_pathwords_fn():
    info = plsc.get_sparse_core_info()
    nc, ns, lanes = info.num_cores, info.num_subcores, info.num_lanes
    nw = nc * ns
    bpw = _BSC // nw

    mesh = plsc.VectorSubcoreMesh(core_axis_name="c", subcore_axis_name="s")

    @functools.partial(
        pl.kernel,
        mesh=mesh,
        out_type=jax.ShapeDtypeStruct((_BSC, _D), jnp.float32),
        scratch_types=[
            pltpu.VMEM((bpw,), jnp.int32),
            pltpu.VMEM((bpw, _D), jnp.float32),
        ],
        compiler_params=pltpu.CompilerParams(use_tc_tiling_on_sc=True),
    )
    def k(pos_hbm, out_hbm, pos_v, rows_v):
        wid = lax.axis_index("s") * nc + lax.axis_index("c")
        base = wid * bpw
        pltpu.sync_copy(pos_hbm.at[pl.ds(base, bpw)], pos_v)
        lane = lax.iota(jnp.int32, lanes)
        k_lo = lane >> 1
        k_hi = k_lo + 8
        t_bit = lane & 1
        one = jnp.full((lanes,), 1.0, jnp.float32)
        zero = jnp.full((lanes,), 0.0, jnp.float32)

        def body(c, _):
            cbase = c * lanes
            pv = jnp.maximum(pos_v[pl.ds(cbase, lanes)], 1)
            for i in range(lanes):
                mv = jnp.full((lanes,), pv[i], jnp.int32)
                for koff, kv in ((0, k_lo), (lanes, k_hi)):
                    a = lax.shift_right_logical(mv, kv)
                    hit = (a >= 2) & ((a & 1) == t_bit)
                    rows_v[cbase + i, pl.ds(koff, lanes)] = jnp.where(hit, one, zero)
            return 0

        lax.fori_loop(0, bpw // lanes, body, 0)
        pltpu.sync_copy(rows_v, out_hbm.at[pl.ds(base, bpw)])

    return k


def _w2_row(w_ref):
    w = jnp.tanh(w_ref[...])
    scale = jnp.sqrt((1.0 - w * w) * (_D / 2.0))
    cols = []
    p = scale
    for _ in range(_MAXD):
        cols.append(p)
        p = p * w
    return jnp.concatenate(cols + cols, axis=1)


def _tc_expand_bits(positions_rows, weight2d):
    grid = (_B - _BSC) // _BB
    blk0 = _BSC // _BB

    def body(w_ref, p_ref, o_ref):
        w2full = _w2_row(w_ref)
        c = lax.broadcasted_iota(jnp.int32, (1, _D * _D), 1)
        kvec = (c & 31) >> 1
        t_bit = c & 1
        prow = p_ref[pl.ds(pl.program_id(0) + blk0, 1), :]
        m = jnp.maximum(jnp.transpose(prow), 1)
        a = lax.shift_right_logical(
            jnp.broadcast_to(m, (_BB, _D * _D)),
            jnp.broadcast_to(kvec, (_BB, _D * _D)))
        hit = (a >= 2) & ((a & 1) == jnp.broadcast_to(t_bit, (_BB, _D * _D)))
        o_ref[...] = jnp.where(hit, jnp.broadcast_to(w2full, (_BB, _D * _D)), 0.0)

    return pl.pallas_call(
        body,
        grid=(grid,),
        in_specs=[
            pl.BlockSpec((1, _D), lambda i: (0, 0)),
            pl.BlockSpec((_B // _BB, _BB), lambda i: (0, 0)),
        ],
        out_specs=pl.BlockSpec((_BB, _D * _D), lambda i: (i + blk0, 0)),
        out_shape=jax.ShapeDtypeStruct((_B, _D * _D), jnp.float32),
    )(weight2d, positions_rows)


def _tc_expand_g(g, weight2d, prev):
    grid = _BSC // _BB

    def body(w_ref, g_ref, prev_ref, o_ref):
        del prev_ref
        w2full = _w2_row(w_ref)
        gt = jnp.concatenate([g_ref[...]] * _D, axis=1)
        o_ref[...] = gt * w2full

    return pl.pallas_call(
        body,
        grid=(grid,),
        in_specs=[
            pl.BlockSpec((1, _D), lambda i: (0, 0)),
            pl.BlockSpec((_BB, _D), lambda i: (i, 0)),
            pl.BlockSpec(memory_space=pl.ANY),
        ],
        out_specs=pl.BlockSpec((_BB, _D * _D), lambda i: (i, 0)),
        out_shape=jax.ShapeDtypeStruct((_B, _D * _D), jnp.float32),
        input_output_aliases={2: 0},
    )(weight2d, g, prev)


def kernel(positions, paths, weight):
    del paths
    pos = positions.reshape(-1)
    w2d = weight.reshape(1, _D)
    upper = _tc_expand_bits(positions.reshape(_B // _BB, _BB), w2d)
    g = _sc_pathwords_fn()(pos)
    return _tc_expand_g(g, w2d, upper)

# --- scband reference (transcript-rebuilt; emitter-appended) ---
"""Pipeline reference for scband-tree-pe-71390946394326 (READ-ONLY COPY).

The authoritative reference and input builder live on the scoring server;
editing this copy changes nothing except your own understanding.
"""

import jax, jax.numpy as jnp
import numpy as np

MAX_DEPTH = 16
DEGREE = 2
DIM = 32
NUM_PATHS = 2 ** (MAX_DEPTH + 1) - 1  # 131071
BATCH = 16384


def create_paths(max_depth: int, degree: int) -> np.ndarray:
    # Vectorized level-by-level construction; exactly matches the BFS queue
    # order of the original torch create_paths (children appended in parent
    # order, branch j = 0..degree-1 consecutive).
    K = max_depth * degree
    onehots = np.eye(degree, dtype=np.float32)
    levels = [np.zeros((1, K), dtype=np.float32)]
    prev = levels[0]
    for _ in range(max_depth):
        n = prev.shape[0]
        shifted = prev[:, : K - degree]
        new = np.concatenate(
            [np.tile(onehots, (n, 1)), np.repeat(shifted, degree, axis=0)],
            axis=1,
        )
        levels.append(new)
        prev = new
    return np.concatenate(levels, axis=0)


def setup_inputs(seed: int = 0) -> dict:
    key = jax.random.key(seed)
    k1, k2 = jax.random.split(key)
    positions = jax.random.randint(k1, (BATCH, 1), 0, NUM_PATHS, dtype=jnp.int32)
    # torch: uniform_(torch.empty(dim), 0.7, 0.999)
    weight = jax.random.uniform(k2, (DIM,), minval=0.7, maxval=0.999, dtype=jnp.float32)
    paths = jnp.asarray(create_paths(MAX_DEPTH, DEGREE))  # [131071, 32]
    return {"positions": positions, "paths": paths, "weight": weight}


def reference(positions, paths, weight):
    pos = jnp.clip(positions - 1, 0, None)          # [B, 1]
    path_words = jnp.take(paths, pos, axis=0)       # [B, 1, 32] gather
    w = jnp.tanh(weight)                             # [32]
    depth = jnp.arange(MAX_DEPTH, dtype=jnp.float32)  # [16]
    scale = jnp.sqrt((1.0 - w ** 2) * DIM / 2.0)     # [32]
    w2 = (w[None, :] ** depth[:, None]) * scale      # [16, 32]
    w2 = jnp.tile(w2, (2, 1))                        # [32, 32]
    out = path_words * w2                            # [B, 32, 32] (broadcast over dim -2)
    return out.reshape(out.shape[:-2] + (-1,))       # [B, 1024]

if __name__ == "__main__":
    import jax
    _d = setup_inputs()
    print(jax.jit(kernel)(*tuple(_d.values())))

</pallas_src>

<mosaic_0001>
#map = affine_map<(d0, d1) -> (0)>
#map1 = affine_map<(d0, d1) -> (0, 0)>
module attributes {stable_mosaic.version = 14 : i64} {
  func.func @k(%arg0: i32, %arg1: i32, %arg2: memref<16384xi32, #tpu.memory_space<hbm>>, %arg3: memref<8192x32xf32, #tpu.memory_space<hbm>>, %arg4: memref<256xi32, #tpu.memory_space<vmem>>, %arg5: memref<256x32xf32, #tpu.memory_space<vmem>>) attributes {dimension_semantics = [#tpu.dimension_semantics<core_parallel>, #tpu.dimension_semantics<subcore_parallel>], iteration_bounds = array<i64: 2, 16>, scalar_prefetch = 0 : i64, scratch_operands = 2 : i64, tpu.core_type = #tpu.core_type<sc_vector_subcore>, window_params = [{transform_indices = #map}, {transform_indices = #map1}]} {
    %mul3A = arith.constant 2 : i32
    %mul3A_0 = arith.muli %arg1, %mul3A : i32
    %add3A = arith.addi %mul3A_0, %arg0 : i32
    %mul3A_1 = arith.constant 256 : i32
    %mul3A_2 = arith.muli %add3A, %mul3A_1 : i32
    "tpu.region"() ({
      %run_scoped3A = tpu.sem_alloc : memref<!tpu.dma_semaphore, #tpu.memory_space<semaphore_mem>>
      %dma_start3A = tpu.memref_slice %arg2[%mul3A_2] : memref<16384xi32, #tpu.memory_space<hbm>> -> memref<256xi32, #tpu.memory_space<hbm>>
      %dma_start3A_19 = tpu.memref_slice %arg2[%mul3A_2] : memref<16384xi32, #tpu.memory_space<hbm>> -> memref<256xi32, #tpu.memory_space<hbm>>
      tpu.enqueue_dma source(%dma_start3A_19 : memref<256xi32, #tpu.memory_space<hbm>>) target(%arg4 : memref<256xi32, #tpu.memory_space<vmem>>) target_semaphore(%run_scoped3A : memref<!tpu.dma_semaphore, #tpu.memory_space<semaphore_mem>>)
      %dma_wait3A = tpu.memref_slice %arg2[%mul3A_2] : memref<16384xi32, #tpu.memory_space<hbm>> -> memref<256xi32, #tpu.memory_space<hbm>>
      %dma_wait3A_20 = tpu.memref_slice %arg2[%mul3A_2] : memref<16384xi32, #tpu.memory_space<hbm>> -> memref<256xi32, #tpu.memory_space<hbm>>
      tpu.wait_dma2 semaphore(%run_scoped3A : memref<!tpu.dma_semaphore, #tpu.memory_space<semaphore_mem>>) src(%dma_wait3A_20 : memref<256xi32, #tpu.memory_space<hbm>>) dst(%arg4 : memref<256xi32, #tpu.memory_space<vmem>>)
      tpu.yield
    }) : () -> ()
    %iota3A = tpu.iota {dimensions = array<i32: 0>} : vector<16xi32>
    %shift_right_arithmetic3A = arith.constant 1 : i32
    %shift_right_arithmetic3A_3 = vector.broadcast %shift_right_arithmetic3A : i32 to vector<16xi32>
    %shift_right_arithmetic3A_4 = arith.shrsi %iota3A, %shift_right_arithmetic3A_3 : vector<16xi32>
    %add3A_5 = arith.constant 8 : i32
    %add3A_6 = vector.broadcast %add3A_5 : i32 to vector<16xi32>
    %add3A_7 = arith.addi %shift_right_arithmetic3A_4, %add3A_6 : vector<16xi32>
    %and3A = arith.constant 1 : i32
    %and3A_8 = vector.broadcast %and3A : i32 to vector<16xi32>
    %and3A_9 = arith.andi %iota3A, %and3A_8 : vector<16xi32>
    %broadcast_in_dim3A = arith.constant 1.000000e+00 : f32
    %broadcast_in_dim3A_10 = vector.broadcast %broadcast_in_dim3A : f32 to vector<16xf32>
    %broadcast_in_dim3A_11 = arith.constant 0.000000e+00 : f32
    %broadcast_in_dim3A_12 = vector.broadcast %broadcast_in_dim3A_11 : f32 to vector<16xf32>
    %scan3A = arith.constant 0 : i32
    %scan3A_13 = arith.constant 0 : i32
    %scan3A_14 = arith.constant 16 : i32
    %scan3A_15 = arith.addi %scan3A_13, %scan3A_14 : i32
    %scan3A_16 = arith.constant 1 : i32
    %scan3A_17 = scf.for %scan3A_19 = %scan3A_13 to %scan3A_15 step %scan3A_16 iter_args(%scan3A_20 = %scan3A) -> (i32)  : i32 {
      %mul3A_21 = arith.constant 16 : i32
      %mul3A_22 = arith.muli %scan3A_19, %mul3A_21 : i32
      %get3A = arith.index_cast %mul3A_22 : i32 to index
      %get3A_23 = tpu.vector_load %arg4[%get3A] {strides = array<i32>} : memref<256xi32, #tpu.memory_space<vmem>>, vector<16xi32>,
      %get3A_24 = vector.shape_cast %get3A_23 : vector<16xi32> to vector<16xi32>
      %max3A = arith.constant 1 : i32
      %max3A_25 = vector.broadcast %max3A : i32 to vector<16xi32>
      %max3A_26 = arith.maxsi %get3A_24, %max3A_25 : vector<16xi32>
      %slice3A = vector.extract_strided_slice %max3A_26 {offsets = [0], sizes = [1], strides = [1]} : vector<16xi32> to vector<1xi32>
      %squeeze3A = vector.extract %slice3A[0] : i32 from vector<1xi32>
      %broadcast_in_dim3A_27 = vector.broadcast %squeeze3A : i32 to vector<16xi32>
      %shift_right_logical3A = arith.shrui %broadcast_in_dim3A_27, %shift_right_arithmetic3A_4 : vector<16xi32>
      %ge3A = arith.constant 2 : i32
      %ge3A_28 = vector.broadcast %ge3A : i32 to vector<16xi32>
      %ge3A_29 = arith.cmpi sge, %shift_right_logical3A, %ge3A_28 : vector<16xi32>
      %and3A_30 = arith.constant 1 : i32
      %and3A_31 = vector.broadcast %and3A_30 : i32 to vector<16xi32>
      %and3A_32 = arith.andi %shift_right_logical3A, %and3A_31 : vector<16xi32>
      %eq3A = arith.cmpi eq, %and3A_32, %and3A_9 : vector<16xi32>
      %and3A_33 = arith.andi %ge3A_29, %eq3A : vector<16xi1>
      %select_n3A = arith.select %and3A_33, %broadcast_in_dim3A_10, %broadcast_in_dim3A_12 : vector<16xi1>, vector<16xf32>
      %add3A_34 = arith.constant 0 : i32
      %add3A_35 = arith.addi %mul3A_22, %add3A_34 : i32
      %swap3A = arith.index_cast %add3A_35 : i32 to index
      %swap3A_36 = arith.constant 0 : index
      %swap3A_37 = tpu.vector_load %arg5[%swap3A, %swap3A_36] {strides = array<i32>} : memref<256x32xf32, #tpu.memory_space<vmem>>, vector<1x16xf32>,
      %swap3A_38 = vector.shape_cast %swap3A_37 : vector<1x16xf32> to vector<16xf32>
      %swap3A_39 = vector.shape_cast %select_n3A : vector<16xf32> to vector<1x16xf32>
      tpu.vector_store %arg5[%swap3A, %swap3A_36], %swap3A_39 {strides = array<i32>} : memref<256x32xf32, #tpu.memory_space<vmem>>, vector<1x16xf32>,
      %shift_right_logical3A_40 = arith.shrui %broadcast_in_dim3A_27, %add3A_7 : vector<16xi32>
      %ge3A_41 = arith.constant 2 : i32
      %ge3A_42 = vector.broadcast %ge3A_41 : i32 to vector<16xi32>
      %ge3A_43 = arith.cmpi sge, %shift_right_logical3A_40, %ge3A_42 : vector<16xi32>
      %and3A_44 = arith.constant 1 : i32
      %and3A_45 = vector.broadcast %and3A_44 : i32 to vector<16xi32>
      %and3A_46 = arith.andi %shift_right_logical3A_40, %and3A_45 : vector<16xi32>
      %eq3A_47 = arith.cmpi eq, %and3A_46, %and3A_9 : vector<16xi32>
      %and3A_48 = arith.andi %ge3A_43, %eq3A_47 : vector<16xi1>
      %select_n3A_49 = arith.select %and3A_48, %broadcast_in_dim3A_10, %broadcast_in_dim3A_12 : vector<16xi1>, vector<16xf32>
      %add3A_50 = arith.constant 0 : i32
      %add3A_51 = arith.addi %mul3A_22, %add3A_50 : i32
      %swap3A_52 = arith.index_cast %add3A_51 : i32 to index
      %swap3A_53 = arith.constant 16 : index
      %swap3A_54 = tpu.vector_load %arg5[%swap3A_52, %swap3A_53] {strides = array<i32>} : memref<256x32xf32, #tpu.memory_space<vmem>>, vector<1x16xf32>,
      %swap3A_55 = vector.shape_cast %swap3A_54 : vector<1x16xf32> to vector<16xf32>
      %swap3A_56 = vector.shape_cast %select_n3A_49 : vector<16xf32> to vector<1x16xf32>
      tpu.vector_store %arg5[%swap3A_52, %swap3A_53], %swap3A_56 {strides = array<i32>} : memref<256x32xf32, #tpu.memory_space<vmem>>, vector<1x16xf32>,
      %slice3A_57 = vector.extract_strided_slice %max3A_26 {offsets = [1], sizes = [1], strides = [1]} : vector<16xi32> to vector<1xi32>
      %squeeze3A_58 = vector.extract %slice3A_57[0] : i32 from vector<1xi32>
      %broadcast_in_dim3A_59 = vector.broadcast %squeeze3A_58 : i32 to vector<16xi32>
      %shift_right_logical3A_60 = arith.shrui %broadcast_in_dim3A_59, %shift_right_arithmetic3A_4 : vector<16xi32>
      %ge3A_61 = arith.constant 2 : i32
      %ge3A_62 = vector.broadcast %ge3A_61 : i32 to vector<16xi32>
      %ge3A_63 = arith.cmpi sge, %shift_right_logical3A_60, %ge3A_62 : vector<16xi32>
      %and3A_64 = arith.constant 1 : i32
      %and3A_65 = vector.broadcast %and3A_64 : i32 to vector<16xi32>
      %and3A_66 = arith.andi %shift_right_logical3A_60, %and3A_65 : vector<16xi32>
      %eq3A_67 = arith.cmpi eq, %and3A_66, %and3A_9 : vector<16xi32>
      %and3A_68 = arith.andi %ge3A_63, %eq3A_67 : vector<16xi1>
      %select_n3A_69 = arith.select %and3A_68, %broadcast_in_dim3A_10, %broadcast_in_dim3A_12 : vector<16xi1>, vector<16xf32>
      %add3A_70 = arith.constant 1 : i32
      %add3A_71 = arith.addi %mul3A_22, %add3A_70 : i32
      %swap3A_72 = arith.index_cast %add3A_71 : i32 to index
      %swap3A_73 = arith.constant 0 : index
      %swap3A_74 = tpu.vector_load %arg5[%swap3A_72, %swap3A_73] {strides = array<i32>} : memref<256x32xf32, #tpu.memory_space<vmem>>, vector<1x16xf32>,
      %swap3A_75 = vector.shape_cast %swap3A_74 : vector<1x16xf32> to vector<16xf32>
      %swap3A_76 = vector.shape_cast %select_n3A_69 : vector<16xf32> to vector<1x16xf32>
      tpu.vector_store %arg5[%swap3A_72, %swap3A_73], %swap3A_76 {strides = array<i32>} : memref<256x32xf32, #tpu.memory_space<vmem>>, vector<1x16xf32>,
      %shift_right_logical3A_77 = arith.shrui %broadcast_in_dim3A_59, %add3A_7 : vector<16xi32>
      %ge3A_78 = arith.constant 2 : i32
      %ge3A_79 = vector.broadcast %ge3A_78 : i32 to vector<16xi32>
      %ge3A_80 = arith.cmpi sge, %shift_right_logical3A_77, %ge3A_79 : vector<16xi32>
      %and3A_81 = arith.constant 1 : i32
      %and3A_82 = vector.broadcast %and3A_81 : i32 to vector<16xi32>
      %and3A_83 = arith.andi %shift_right_logical3A_77, %and3A_82 : vector<16xi32>
      %eq3A_84 = arith.cmpi eq, %and3A_83, %and3A_9 : vector<16xi32>
      %and3A_85 = arith.andi %ge3A_80, %eq3A_84 : vector<16xi1>
      %select_n3A_86 = arith.select %and3A_85, %broadcast_in_dim3A_10, %broadcast_in_dim3A_12 : vector<16xi1>, vector<16xf32>
      %add3A_87 = arith.constant 1 : i32
      %add3A_88 = arith.addi %mul3A_22, %add3A_87 : i32
      %swap3A_89 = arith.index_cast %add3A_88 : i32 to index
      %swap3A_90 = arith.constant 16 : index
      %swap3A_91 = tpu.vector_load %arg5[%swap3A_89, %swap3A_90] {strides = array<i32>} : memref<256x32xf32, #tpu.memory_space<vmem>>, vector<1x16xf32>,
      %swap3A_92 = vector.shape_cast %swap3A_91 : vector<1x16xf32> to vector<16xf32>
      %swap3A_93 = vector.shape_cast %select_n3A_86 : vector<16xf32> to vector<1x16xf32>
      tpu.vector_store %arg5[%swap3A_89, %swap3A_90], %swap3A_93 {strides = array<i32>} : memref<256x32xf32, #tpu.memory_space<vmem>>, vector<1x16xf32>,
      %slice3A_94 = vector.extract_strided_slice %max3A_26 {offsets = [2], sizes = [1], strides = [1]} : vector<16xi32> to vector<1xi32>
      %squeeze3A_95 = vector.extract %slice3A_94[0] : i32 from vector<1xi32>
      %broadcast_in_dim3A_96 = vector.broadcast %squeeze3A_95 : i32 to vector<16xi32>
      %shift_right_logical3A_97 = arith.shrui %broadcast_in_dim3A_96, %shift_right_arithmetic3A_4 : vector<16xi32>
      %ge3A_98 = arith.constant 2 : i32
      %ge3A_99 = vector.broadcast %ge3A_98 : i32 to vector<16xi32>
      %ge3A_100 = arith.cmpi sge, %shift_right_logical3A_97, %ge3A_99 : vector<16xi32>
      %and3A_101 = arith.constant 1 : i32
      %and3A_102 = vector.broadcast %and3A_101 : i32 to vector<16xi32>
      %and3A_103 = arith.andi %shift_right_logical3A_97, %and3A_102 : vector<16xi32>
      %eq3A_104 = arith.cmpi eq, %and3A_103, %and3A_9 : vector<16xi32>
      %and3A_105 = arith.andi %ge3A_100, %eq3A_104 : vector<16xi1>
      %select_n3A_106 = arith.select %and3A_105, %broadcast_in_dim3A_10, %broadcast_in_dim3A_12 : vector<16xi1>, vector<16xf32>
      %add3A_107 = arith.constant 2 : i32
      %add3A_108 = arith.addi %mul3A_22, %add3A_107 : i32
      %swap3A_109 = arith.index_cast %add3A_108 : i32 to index
      %swap3A_110 = arith.constant 0 : index
      %swap3A_111 = tpu.vector_load %arg5[%swap3A_109, %swap3A_110] {strides = array<i32>} : memref<256x32xf32, #tpu.memory_space<vmem>>, vector<1x16xf32>,
      %swap3A_112 = vector.shape_cast %swap3A_111 : vector<1x16xf32> to vector<16xf32>
      %swap3A_113 = vector.shape_cast %select_n3A_106 : vector<16xf32> to vector<1x16xf32>
      tpu.vector_store %arg5[%swap3A_109, %swap3A_110], %swap3A_113 {strides = array<i32>} : memref<256x32xf32, #tpu.memory_space<vmem>>, vector<1x16xf32>,
      %shift_right_logical3A_114 = arith.shrui %broadcast_in_dim3A_96, %add3A_7 : vector<16xi32>
      %ge3A_115 = arith.constant 2 : i32
      %ge3A_116 = vector.broadcast %ge3A_115 : i32 to vector<16xi32>
      %ge3A_117 = arith.cmpi sge, %shift_right_logical3A_114, %ge3A_116 : vector<16xi32>
      %and3A_118 = arith.constant 1 : i32
      %and3A_119 = vector.broadcast %and3A_118 : i32 to vector<16xi32>
      %and3A_120 = arith.andi %shift_right_logical3A_114, %and3A_119 : vector<16xi32>
      %eq3A_121 = arith.cmpi eq, %and3A_120, %and3A_9 : vector<16xi32>
      %and3A_122 = arith.andi %ge3A_117, %eq3A_121 : vector<16xi1>
      %select_n3A_123 = arith.select %and3A_122, %broadcast_in_dim3A_10, %broadcast_in_dim3A_12 : vector<16xi1>, vector<16xf32>
      %add3A_124 = arith.constant 2 : i32
      %add3A_125 = arith.addi %mul3A_22, %add3A_124 : i32
      %swap3A_126 = arith.index_cast %add3A_125 : i32 to index
      %swap3A_127 = arith.constant 16 : index
      %swap3A_128 = tpu.vector_load %arg5[%swap3A_126, %swap3A_127] {strides = array<i32>} : memref<256x32xf32, #tpu.memory_space<vmem>>, vector<1x16xf32>,
      %swap3A_129 = vector.shape_cast %swap3A_128 : vector<1x16xf32> to vector<16xf32>
      %swap3A_130 = vector.shape_cast %select_n3A_123 : vector<16xf32> to vector<1x16xf32>
      tpu.vector_store %arg5[%swap3A_126, %swap3A_127], %swap3A_130 {strides = array<i32>} : memref<256x32xf32, #tpu.memory_space<vmem>>, vector<1x16xf32>,
      %slice3A_131 = vector.extract_strided_slice %max3A_26 {offsets = [3], sizes = [1], strides = [1]} : vector<16xi32> to vector<1xi32>
      %squeeze3A_132 = vector.extract %slice3A_131[0] : i32 from vector<1xi32>
      %broadcast_in_dim3A_133 = vector.broadcast %squeeze3A_132 : i32 to vector<16xi32>
      %shift_right_logical3A_134 = arith.shrui %broadcast_in_dim3A_133, %shift_right_arithmetic3A_4 : vector<16xi32>
      %ge3A_135 = arith.constant 2 : i32
      %ge3A_136 = vector.broadcast %ge3A_135 : i32 to vector<16xi32>
      %ge3A_137 = arith.cmpi sge, %shift_right_logical3A_134, %ge3A_136 : vector<16xi32>
      %and3A_138 = arith.constant 1 : i32
      %and3A_139 = vector.broadcast %and3A_138 : i32 to vector<16xi32>
      %and3A_140 = arith.andi %shift_right_logical3A_134, %and3A_139 : vector<16xi32>
      %eq3A_141 = arith.cmpi eq, %and3A_140, %and3A_9 : vector<16xi32>
      %and3A_142 = arith.andi %ge3A_137, %eq3A_141 : vector<16xi1>
      %select_n3A_143 = arith.select %and3A_142, %broadcast_in_dim3A_10, %broadcast_in_dim3A_12 : vector<16xi1>, vector<16xf32>
      %add3A_144 = arith.constant 3 : i32
      %add3A_145 = arith.addi %mul3A_22, %add3A_144 : i32
      %swap3A_146 = arith.index_cast %add3A_145 : i32 to index
      %swap3A_147 = arith.constant 0 : index
      %swap3A_148 = tpu.vector_load %arg5[%swap3A_146, %swap3A_147] {strides = array<i32>} : memref<256x32xf32, #tpu.memory_space<vmem>>, vector<1x16xf32>,
      %swap3A_149 = vector.shape_cast %swap3A_148 : vector<1x16xf32> to vector<16xf32>
      %swap3A_150 = vector.shape_cast %select_n3A_143 : vector<16xf32> to vector<1x16xf32>
      tpu.vector_store %arg5[%swap3A_146, %swap3A_147], %swap3A_150 {strides = array<i32>} : memref<256x32xf32, #tpu.memory_space<vmem>>, vector<1x16xf32>,
      %shift_right_logical3A_151 = arith.shrui %broadcast_in_dim3A_133, %add3A_7 : vector<16xi32>
      %ge3A_152 = arith.constant 2 : i32
      %ge3A_153 = vector.broadcast %ge3A_152 : i32 to vector<16xi32>
      %ge3A_154 = arith.cmpi sge, %shift_right_logical3A_151, %ge3A_153 : vector<16xi32>
      %and3A_155 = arith.constant 1 : i32
      %and3A_156 = vector.broadcast %and3A_155 : i32 to vector<16xi32>
      %and3A_157 = arith.andi %shift_right_logical3A_151, %and3A_156 : vector<16xi32>
      %eq3A_158 = arith.cmpi eq, %and3A_157, %and3A_9 : vector<16xi32>
      %and3A_159 = arith.andi %ge3A_154, %eq3A_158 : vector<16xi1>
      %select_n3A_160 = arith.select %and3A_159, %broadcast_in_dim3A_10, %broadcast_in_dim3A_12 : vector<16xi1>, vector<16xf32>
      %add3A_161 = arith.constant 3 : i32
      %add3A_162 = arith.addi %mul3A_22, %add3A_161 : i32
      %swap3A_163 = arith.index_cast %add3A_162 : i32 to index
      %swap3A_164 = arith.constant 16 : index
      %swap3A_165 = tpu.vector_load %arg5[%swap3A_163, %swap3A_164] {strides = array<i32>} : memref<256x32xf32, #tpu.memory_space<vmem>>, vector<1x16xf32>,
      %swap3A_166 = vector.shape_cast %swap3A_165 : vector<1x16xf32> to vector<16xf32>
      %swap3A_167 = vector.shape_cast %select_n3A_160 : vector<16xf32> to vector<1x16xf32>
      tpu.vector_store %arg5[%swap3A_163, %swap3A_164], %swap3A_167 {strides = array<i32>} : memref<256x32xf32, #tpu.memory_space<vmem>>, vector<1x16xf32>,
      %slice3A_168 = vector.extract_strided_slice %max3A_26 {offsets = [4], sizes = [1], strides = [1]} : vector<16xi32> to vector<1xi32>
      %squeeze3A_169 = vector.extract %slice3A_168[0] : i32 from vector<1xi32>
      %broadcast_in_dim3A_170 = vector.broadcast %squeeze3A_169 : i32 to vector<16xi32>
      %shift_right_logical3A_171 = arith.shrui %broadcast_in_dim3A_170, %shift_right_arithmetic3A_4 : vector<16xi32>
      %ge3A_172 = arith.constant 2 : i32
      %ge3A_173 = vector.broadcast %ge3A_172 : i32 to vector<16xi32>
      %ge3A_174 = arith.cmpi sge, %shift_right_logical3A_171, %ge3A_173 : vector<16xi32>
      %and3A_175 = arith.constant 1 : i32
      %and3A_176 = vector.broadcast %and3A_175 : i32 to vector<16xi32>
      %and3A_177 = arith.andi %shift_right_logical3A_171, %and3A_176 : vector<16xi32>
      %eq3A_178 = arith.cmpi eq, %and3A_177, %and3A_9 : vector<16xi32>
      %and3A_179 = arith.andi %ge3A_174, %eq3A_178 : vector<16xi1>
      %select_n3A_180 = arith.select %and3A_179, %broadcast_in_dim3A_10, %broadcast_in_dim3A_12 : vector<16xi1>, vector<16xf32>
      %add3A_181 = arith.constant 4 : i32
      %add3A_182 = arith.addi %mul3A_22, %add3A_181 : i32
      %swap3A_183 = arith.index_cast %add3A_182 : i32 to index
      %swap3A_184 = arith.constant 0 : index
      %swap3A_185 = tpu.vector_load %arg5[%swap3A_183, %swap3A_184] {strides = array<i32>} : memref<256x32xf32, #tpu.memory_space<vmem>>, vector<1x16xf32>,
      %swap3A_186 = vector.shape_cast %swap3A_185 : vector<1x16xf32> to vector<16xf32>
      %swap3A_187 = vector.shape_cast %select_n3A_180 : vector<16xf32> to vector<1x16xf32>
      tpu.vector_store %arg5[%swap3A_183, %swap3A_184], %swap3A_187 {strides = array<i32>} : memref<256x32xf32, #tpu.memory_space<vmem>>, vector<1x16xf32>,
      %shift_right_logical3A_188 = arith.shrui %broadcast_in_dim3A_170, %add3A_7 : vector<16xi32>
      %ge3A_189 = arith.constant 2 : i32
      %ge3A_190 = vector.broadcast %ge3A_189 : i32 to vector<16xi32>
      %ge3A_191 = arith.cmpi sge, %shift_right_logical3A_188, %ge3A_190 : vector<16xi32>
      %and3A_192 = arith.constant 1 : i32
      %and3A_193 = vector.broadcast %and3A_192 : i32 to vector<16xi32>
      %and3A_194 = arith.andi %shift_right_logical3A_188, %and3A_193 : vector<16xi32>
      %eq3A_195 = arith.cmpi eq, %and3A_194, %and3A_9 : vector<16xi32>
      %and3A_196 = arith.andi %ge3A_191, %eq3A_195 : vector<16xi1>
      %select_n3A_197 = arith.select %and3A_196, %broadcast_in_dim3A_10, %broadcast_in_dim3A_12 : vector<16xi1>, vector<16xf32>
      %add3A_198 = arith.constant 4 : i32
      %add3A_199 = arith.addi %mul3A_22, %add3A_198 : i32
      %swap3A_200 = arith.index_cast %add3A_199 : i32 to index
      %swap3A_201 = arith.constant 16 : index
      %swap3A_202 = tpu.vector_load %arg5[%swap3A_200, %swap3A_201] {strides = array<i32>} : memref<256x32xf32, #tpu.memory_space<vmem>>, vector<1x16xf32>,
      %swap3A_203 = vector.shape_cast %swap3A_202 : vector<1x16xf32> to vector<16xf32>
      %swap3A_204 = vector.shape_cast %select_n3A_197 : vector<16xf32> to vector<1x16xf32>
      tpu.vector_store %arg5[%swap3A_200, %swap3A_201], %swap3A_204 {strides = array<i32>} : memref<256x32xf32, #tpu.memory_space<vmem>>, vector<1x16xf32>,
      %slice3A_205 = vector.extract_strided_slice %max3A_26 {offsets = [5], sizes = [1], strides = [1]} : vector<16xi32> to vector<1xi32>
      %squeeze3A_206 = vector.extract %slice3A_205[0] : i32 from vector<1xi32>
      %broadcast_in_dim3A_207 = vector.broadcast %squeeze3A_206 : i32 to vector<16xi32>
      %shift_right_logical3A_208 = arith.shrui %broadcast_in_dim3A_207, %shift_right_arithmetic3A_4 : vector<16xi32>
      %ge3A_209 = arith.constant 2 : i32
      %ge3A_210 = vector.broadcast %ge3A_209 : i32 to vector<16xi32>
      %ge3A_211 = arith.cmpi sge, %shift_right_logical3A_208, %ge3A_210 : vector<16xi32>
      %and3A_212 = arith.constant 1 : i32
      %and3A_213 = vector.broadcast %and3A_212 : i32 to vector<16xi32>
      %and3A_214 = arith.andi %shift_right_logical3A_208, %and3A_213 : vector<16xi32>
      %eq3A_215 = arith.cmpi eq, %and3A_214, %and3A_9 : vector<16xi32>
      %and3A_216 = arith.andi %ge3A_211, %eq3A_215 : vector<16xi1>
      %select_n3A_217 = arith.select %and3A_216, %broadcast_in_dim3A_10, %broadcast_in_dim3A_12 : vector<16xi1>, vector<16xf32>
      %add3A_218 = arith.constant 5 : i32
      %add3A_219 = arith.addi %mul3A_22, %add3A_218 : i32
      %swap3A_220 = arith.index_cast %add3A_219 : i32 to index
      %swap3A_221 = arith.constant 0 : index
      %swap3A_222 = tpu.vector_load %arg5[%swap3A_220, %swap3A_221] {strides = array<i32>} : memref<256x32xf32, #tpu.memory_space<vmem>>, vector<1x16xf32>,
      %swap3A_223 = vector.shape_cast %swap3A_222 : vector<1x16xf32> to vector<16xf32>
      %swap3A_224 = vector.shape_cast %select_n3A_217 : vector<16xf32> to vector<1x16xf32>
      tpu.vector_store %arg5[%swap3A_220, %swap3A_221], %swap3A_224 {strides = array<i32>} : memref<256x32xf32, #tpu.memory_space<vmem>>, vector<1x16xf32>,
      %shift_right_logical3A_225 = arith.shrui %broadcast_in_dim3A_207, %add3A_7 : vector<16xi32>
      %ge3A_226 = arith.constant 2 : i32
      %ge3A_227 = vector.broadcast %ge3A_226 : i32 to vector<16xi32>
      %ge3A_228 = arith.cmpi sge, %shift_right_logical3A_225, %ge3A_227 : vector<16xi32>
      %and3A_229 = arith.constant 1 : i32
      %and3A_230 = vector.broadcast %and3A_229 : i32 to vector<16xi32>
      %and3A_231 = arith.andi %shift_right_logical3A_225, %and3A_230 : vector<16xi32>
      %eq3A_232 = arith.cmpi eq, %and3A_231, %and3A_9 : vector<16xi32>
      %and3A_233 = arith.andi %ge3A_228, %eq3A_232 : vector<16xi1>
      %select_n3A_234 = arith.select %and3A_233, %broadcast_in_dim3A_10, %broadcast_in_dim3A_12 : vector<16xi1>, vector<16xf32>
      %add3A_235 = arith.constant 5 : i32
      %add3A_236 = arith.addi %mul3A_22, %add3A_235 : i32
      %swap3A_237 = arith.index_cast %add3A_236 : i32 to index
      %swap3A_238 = arith.constant 16 : index
      %swap3A_239 = tpu.vector_load %arg5[%swap3A_237, %swap3A_238] {strides = array<i32>} : memref<256x32xf32, #tpu.memory_space<vmem>>, vector<1x16xf32>,
      %swap3A_240 = vector.shape_cast %swap3A_239 : vector<1x16xf32> to vector<16xf32>
      %swap3A_241 = vector.shape_cast %select_n3A_234 : vector<16xf32> to vector<1x16xf32>
      tpu.vector_store %arg5[%swap3A_237, %swap3A_238], %swap3A_241 {strides = array<i32>} : memref<256x32xf32, #tpu.memory_space<vmem>>, vector<1x16xf32>,
      %slice3A_242 = vector.extract_strided_slice %max3A_26 {offsets = [6], sizes = [1], strides = [1]} : vector<16xi32> to vector<1xi32>
      %squeeze3A_243 = vector.extract %slice3A_242[0] : i32 from vector<1xi32>
      %broadcast_in_dim3A_244 = vector.broadcast %squeeze3A_243 : i32 to vector<16xi32>
      %shift_right_logical3A_245 = arith.shrui %broadcast_in_dim3A_244, %shift_right_arithmetic3A_4 : vector<16xi32>
      %ge3A_246 = arith.constant 2 : i32
      %ge3A_247 = vector.broadcast %ge3A_246 : i32 to vector<16xi32>
      %ge3A_248 = arith.cmpi sge, %shift_right_logical3A_245, %ge3A_247 : vector<16xi32>
      %and3A_249 = arith.constant 1 : i32
      %and3A_250 = vector.broadcast %and3A_249 : i32 to vector<16xi32>
      %and3A_251 = arith.andi %shift_right_logical3A_245, %and3A_250 : vector<16xi32>
      %eq3A_252 = arith.cmpi eq, %and3A_251, %and3A_9 : vector<16xi32>
      %and3A_253 = arith.andi %ge3A_248, %eq3A_252 : vector<16xi1>
      %select_n3A_254 = arith.select %and3A_253, %broadcast_in_dim3A_10, %broadcast_in_dim3A_12 : vector<16xi1>, vector<16xf32>
      %add3A_255 = arith.constant 6 : i32
      %add3A_256 = arith.addi %mul3A_22, %add3A_255 : i32
      %swap3A_257 = arith.index_cast %add3A_256 : i32 to index
      %swap3A_258 = arith.constant 0 : index
      %swap3A_259 = tpu.vector_load %arg5[%swap3A_257, %swap3A_258] {strides = array<i32>} : memref<256x32xf32, #tpu.memory_space<vmem>>, vector<1x16xf32>,
      %swap3A_260 = vector.shape_cast %swap3A_259 : vector<1x16xf32> to vector<16xf32>
      %swap3A_261 = vector.shape_cast %select_n3A_254 : vector<16xf32> to vector<1x16xf32>
      tpu.vector_store %arg5[%swap3A_257, %swap3A_258], %swap3A_261 {strides = array<i32>} : memref<256x32xf32, #tpu.memory_space<vmem>>, vector<1x16xf32>,
      %shift_right_logical3A_262 = arith.shrui %broadcast_in_dim3A_244, %add3A_7 : vector<16xi32>
      %ge3A_263 = arith.constant 2 : i32
      %ge3A_264 = vector.broadcast %ge3A_263 : i32 to vector<16xi32>
      %ge3A_265 = arith.cmpi sge, %shift_right_logical3A_262, %ge3A_264 : vector<16xi32>
      %and3A_266 = arith.constant 1 : i32
      %and3A_267 = vector.broadcast %and3A_266 : i32 to vector<16xi32>
      %and3A_268 = arith.andi %shift_right_logical3A_262, %and3A_267 : vector<16xi32>
      %eq3A_269 = arith.cmpi eq, %and3A_268, %and3A_9 : vector<16xi32>
      %and3A_270 = arith.andi %ge3A_265, %eq3A_269 : vector<16xi1>
      %select_n3A_271 = arith.select %and3A_270, %broadcast_in_dim3A_10, %broadcast_in_dim3A_12 : vector<16xi1>, vector<16xf32>
      %add3A_272 = arith.constant 6 : i32
      %add3A_273 = arith.addi %mul3A_22, %add3A_272 : i32
      %swap3A_274 = arith.index_cast %add3A_273 : i32 to index
      %swap3A_275 = arith.constant 16 : index
      %swap3A_276 = tpu.vector_load %arg5[%swap3A_274, %swap3A_275] {strides = array<i32>} : memref<256x32xf32, #tpu.memory_space<vmem>>, vector<1x16xf32>,
      %swap3A_277 = vector.shape_cast %swap3A_276 : vector<1x16xf32> to vector<16xf32>
      %swap3A_278 = vector.shape_cast %select_n3A_271 : vector<16xf32> to vector<1x16xf32>
      tpu.vector_store %arg5[%swap3A_274, %swap3A_275], %swap3A_278 {strides = array<i32>} : memref<256x32xf32, #tpu.memory_space<vmem>>, vector<1x16xf32>,
      %slice3A_279 = vector.extract_strided_slice %max3A_26 {offsets = [7], sizes = [1], strides = [1]} : vector<16xi32> to vector<1xi32>
      %squeeze3A_280 = vector.extract %slice3A_279[0] : i32 from vector<1xi32>
      %broadcast_in_dim3A_281 = vector.broadcast %squeeze3A_280 : i32 to vector<16xi32>
      %shift_right_logical3A_282 = arith.shrui %broadcast_in_dim3A_281, %shift_right_arithmetic3A_4 : vector<16xi32>
      %ge3A_283 = arith.constant 2 : i32
      %ge3A_284 = vector.broadcast %ge3A_283 : i32 to vector<16xi32>
      %ge3A_285 = arith.cmpi sge, %shift_right_logical3A_282, %ge3A_284 : vector<16xi32>
      %and3A_286 = arith.constant 1 : i32
      %and3A_287 = vector.broadcast %and3A_286 : i32 to vector<16xi32>
      %and3A_288 = arith.andi %shift_right_logical3A_282, %and3A_287 : vector<16xi32>
      %eq3A_289 = arith.cmpi eq, %and3A_288, %and3A_9 : vector<16xi32>
      %and3A_290 = arith.andi %ge3A_285, %eq3A_289 : vector<16xi1>
      %select_n3A_291 = arith.select %and3A_290, %broadcast_in_dim3A_10, %broadcast_in_dim3A_12 : vector<16xi1>, vector<16xf32>
      %add3A_292 = arith.constant 7 : i32
      %add3A_293 = arith.addi %mul3A_22, %add3A_292 : i32
      %swap3A_294 = arith.index_cast %add3A_293 : i32 to index
      %swap3A_295 = arith.constant 0 : index
      %swap3A_296 = tpu.vector_load %arg5[%swap3A_294, %swap3A_295] {strides = array<i32>} : memref<256x32xf32, #tpu.memory_space<vmem>>, vector<1x16xf32>,
      %swap3A_297 = vector.shape_cast %swap3A_296 : vector<1x16xf32> to vector<16xf32>
      %swap3A_298 = vector.shape_cast %select_n3A_291 : vector<16xf32> to vector<1x16xf32>
      tpu.vector_store %arg5[%swap3A_294, %swap3A_295], %swap3A_298 {strides = array<i32>} : memref<256x32xf32, #tpu.memory_space<vmem>>, vector<1x16xf32>,
      %shift_right_logical3A_299 = arith.shrui %broadcast_in_dim3A_281, %add3A_7 : vector<16xi32>
      %ge3A_300 = arith.constant 2 : i32
      %ge3A_301 = vector.broadcast %ge3A_300 : i32 to vector<16xi32>
      %ge3A_302 = arith.cmpi sge, %shift_right_logical3A_299, %ge3A_301 : vector<16xi32>
      %and3A_303 = arith.constant 1 : i32
      %and3A_304 = vector.broadcast %and3A_303 : i32 to vector<16xi32>
      %and3A_305 = arith.andi %shift_right_logical3A_299, %and3A_304 : vector<16xi32>
      %eq3A_306 = arith.cmpi eq, %and3A_305, %and3A_9 : vector<16xi32>
      %and3A_307 = arith.andi %ge3A_302, %eq3A_306 : vector<16xi1>
      %select_n3A_308 = arith.select %and3A_307, %broadcast_in_dim3A_10, %broadcast_in_dim3A_12 : vector<16xi1>, vector<16xf32>
      %add3A_309 = arith.constant 7 : i32
      %add3A_310 = arith.addi %mul3A_22, %add3A_309 : i32
      %swap3A_311 = arith.index_cast %add3A_310 : i32 to index
      %swap3A_312 = arith.constant 16 : index
      %swap3A_313 = tpu.vector_load %arg5[%swap3A_311, %swap3A_312] {strides = array<i32>} : memref<256x32xf32, #tpu.memory_space<vmem>>, vector<1x16xf32>,
      %swap3A_314 = vector.shape_cast %swap3A_313 : vector<1x16xf32> to vector<16xf32>
      %swap3A_315 = vector.shape_cast %select_n3A_308 : vector<16xf32> to vector<1x16xf32>
      tpu.vector_store %arg5[%swap3A_311, %swap3A_312], %swap3A_315 {strides = array<i32>} : memref<256x32xf32, #tpu.memory_space<vmem>>, vector<1x16xf32>,
      %slice3A_316 = vector.extract_strided_slice %max3A_26 {offsets = [8], sizes = [1], strides = [1]} : vector<16xi32> to vector<1xi32>
      %squeeze3A_317 = vector.extract %slice3A_316[0] : i32 from vector<1xi32>
      %broadcast_in_dim3A_318 = vector.broadcast %squeeze3A_317 : i32 to vector<16xi32>
      %shift_right_logical3A_319 = arith.shrui %broadcast_in_dim3A_318, %shift_right_arithmetic3A_4 : vector<16xi32>
      %ge3A_320 = arith.constant 2 : i32
      %ge3A_321 = vector.broadcast %ge3A_320 : i32 to vector<16xi32>
      %ge3A_322 = arith.cmpi sge, %shift_right_logical3A_319, %ge3A_321 : vector<16xi32>
      %and3A_323 = arith.constant 1 : i32
      %and3A_324 = vector.broadcast %and3A_323 : i32 to vector<16xi32>
      %and3A_325 = arith.andi %shift_right_logical3A_319, %and3A_324 : vector<16xi32>
      %eq3A_326 = arith.cmpi eq, %and3A_325, %and3A_9 : vector<16xi32>
      %and3A_327 = arith.andi %ge3A_322, %eq3A_326 : vector<16xi1>
      %select_n3A_328 = arith.select %and3A_327, %broadcast_in_dim3A_10, %broadcast_in_dim3A_12 : vector<16xi1>, vector<16xf32>
      %add3A_329 = arith.constant 8 : i32
      %add3A_330 = arith.addi %mul3A_22, %add3A_329 : i32
      %swap3A_331 = arith.index_cast %add3A_330 : i32 to index
      %swap3A_332 = arith.constant 0 : index
      %swap3A_333 = tpu.vector_load %arg5[%swap3A_331, %swap3A_332] {strides = array<i32>} : memref<256x32xf32, #tpu.memory_space<vmem>>, vector<1x16xf32>,
      %swap3A_334 = vector.shape_cast %swap3A_333 : vector<1x16xf32> to vector<16xf32>
      %swap3A_335 = vector.shape_cast %select_n3A_328 : vector<16xf32> to vector<1x16xf32>
      tpu.vector_store %arg5[%swap3A_331, %swap3A_332], %swap3A_335 {strides = array<i32>} : memref<256x32xf32, #tpu.memory_space<vmem>>, vector<1x16xf32>,
      %shift_right_logical3A_336 = arith.shrui %broadcast_in_dim3A_318, %add3A_7 : vector<16xi32>
      %ge3A_337 = arith.constant 2 : i32
      %ge3A_338 = vector.broadcast %ge3A_337 : i32 to vector<16xi32>
      %ge3A_339 = arith.cmpi sge, %shift_right_logical3A_336, %ge3A_338 : vector<16xi32>
      %and3A_340 = arith.constant 1 : i32
      %and3A_341 = vector.broadcast %and3A_340 : i32 to vector<16xi32>
      %and3A_342 = arith.andi %shift_right_logical3A_336, %and3A_341 : vector<16xi32>
      %eq3A_343 = arith.cmpi eq, %and3A_342, %and3A_9 : vector<16xi32>
      %and3A_344 = arith.andi %ge3A_339, %eq3A_343 : vector<16xi1>
      %select_n3A_345 = arith.select %and3A_344, %broadcast_in_dim3A_10, %broadcast_in_dim3A_12 : vector<16xi1>, vector<16xf32>
      %add3A_346 = arith.constant 8 : i32
      %add3A_347 = arith.addi %mul3A_22, %add3A_346 : i32
      %swap3A_348 = arith.index_cast %add3A_347 : i32 to index
      %swap3A_349 = arith.constant 16 : index
      %swap3A_350 = tpu.vector_load %arg5[%swap3A_348, %swap3A_349] {strides = array<i32>} : memref<256x32xf32, #tpu.memory_space<vmem>>, vector<1x16xf32>,
      %swap3A_351 = vector.shape_cast %swap3A_350 : vector<1x16xf32> to vector<16xf32>
      %swap3A_352 = vector.shape_cast %select_n3A_345 : vector<16xf32> to vector<1x16xf32>
      tpu.vector_store %arg5[%swap3A_348, %swap3A_349], %swap3A_352 {strides = array<i32>} : memref<256x32xf32, #tpu.memory_space<vmem>>, vector<1x16xf32>,
      %slice3A_353 = vector.extract_strided_slice %max3A_26 {offsets = [9], sizes = [1], strides = [1]} : vector<16xi32> to vector<1xi32>
      %squeeze3A_354 = vector.extract %slice3A_353[0] : i32 from vector<1xi32>
      %broadcast_in_dim3A_355 = vector.broadcast %squeeze3A_354 : i32 to vector<16xi32>
      %shift_right_logical3A_356 = arith.shrui %broadcast_in_dim3A_355, %shift_right_arithmetic3A_4 : vector<16xi32>
      %ge3A_357 = arith.constant 2 : i32
      %ge3A_358 = vector.broadcast %ge3A_357 : i32 to vector<16xi32>
      %ge3A_359 = arith.cmpi sge, %shift_right_logical3A_356, %ge3A_358 : vector<16xi32>
      %and3A_360 = arith.constant 1 : i32
      %and3A_361 = vector.broadcast %and3A_360 : i32 to vector<16xi32>
      %and3A_362 = arith.andi %shift_right_logical3A_356, %and3A_361 : vector<16xi32>
      %eq3A_363 = arith.cmpi eq, %and3A_362, %and3A_9 : vector<16xi32>
      %and3A_364 = arith.andi %ge3A_359, %eq3A_363 : vector<16xi1>
      %select_n3A_365 = arith.select %and3A_364, %broadcast_in_dim3A_10, %broadcast_in_dim3A_12 : vector<16xi1>, vector<16xf32>
      %add3A_366 = arith.constant 9 : i32
      %add3A_367 = arith.addi %mul3A_22, %add3A_366 : i32
      %swap3A_368 = arith.index_cast %add3A_367 : i32 to index
      %swap3A_369 = arith.constant 0 : index
      %swap3A_370 = tpu.vector_load %arg5[%swap3A_368, %swap3A_369] {strides = array<i32>} : memref<256x32xf32, #tpu.memory_space<vmem>>, vector<1x16xf32>,
      %swap3A_371 = vector.shape_cast %swap3A_370 : vector<1x16xf32> to vector<16xf32>
      %swap3A_372 = vector.shape_cast %select_n3A_365 : vector<16xf32> to vector<1x16xf32>
      tpu.vector_store %arg5[%swap3A_368, %swap3A_369], %swap3A_372 {strides = array<i32>} : memref<256x32xf32, #tpu.memory_space<vmem>>, vector<1x16xf32>,
      %shift_right_logical3A_373 = arith.shrui %broadcast_in_dim3A_355, %add3A_7 : vector<16xi32>
      %ge3A_374 = arith.constant 2 : i32
      %ge3A_375 = vector.broadcast %ge3A_374 : i32 to vector<16xi32>
      %ge3A_376 = arith.cmpi sge, %shift_right_logical3A_373, %ge3A_375 : vector<16xi32>
      %and3A_377 = arith.constant 1 : i32
      %and3A_378 = vector.broadcast %and3A_377 : i32 to vector<16xi32>
      %and3A_379 = arith.andi %shift_right_logical3A_373, %and3A_378 : vector<16xi32>
      %eq3A_380 = arith.cmpi eq, %and3A_379, %and3A_9 : vector<16xi32>
      %and3A_381 = arith.andi %ge3A_376, %eq3A_380 : vector<16xi1>
      %select_n3A_382 = arith.select %and3A_381, %broadcast_in_dim3A_10, %broadcast_in_dim3A_12 : vector<16xi1>, vector<16xf32>
      %add3A_383 = arith.constant 9 : i32
      %add3A_384 = arith.addi %mul3A_22, %add3A_383 : i32
      %swap3A_385 = arith.index_cast %add3A_384 : i32 to index
      %swap3A_386 = arith.constant 16 : index
      %swap3A_387 = tpu.vector_load %arg5[%swap3A_385, %swap3A_386] {strides = array<i32>} : memref<256x32xf32, #tpu.memory_space<vmem>>, vector<1x16xf32>,
      %swap3A_388 = vector.shape_cast %swap3A_387 : vector<1x16xf32> to vector<16xf32>
      %swap3A_389 = vector.shape_cast %select_n3A_382 : vector<16xf32> to vector<1x16xf32>
      tpu.vector_store %arg5[%swap3A_385, %swap3A_386], %swap3A_389 {strides = array<i32>} : memref<256x32xf32, #tpu.memory_space<vmem>>, vector<1x16xf32>,
      %slice3A_390 = vector.extract_strided_slice %max3A_26 {offsets = [10], sizes = [1], strides = [1]} : vector<16xi32> to vector<1xi32>
      %squeeze3A_391 = vector.extract %slice3A_390[0] : i32 from vector<1xi32>
      %broadcast_in_dim3A_392 = vector.broadcast %squeeze3A_391 : i32 to vector<16xi32>
      %shift_right_logical3A_393 = arith.shrui %broadcast_in_dim3A_392, %shift_right_arithmetic3A_4 : vector<16xi32>
      %ge3A_394 = arith.constant 2 : i32
      %ge3A_395 = vector.broadcast %ge3A_394 : i32 to vector<16xi32>
      %ge3A_396 = arith.cmpi sge, %shift_right_logical3A_393, %ge3A_395 : vector<16xi32>
      %and3A_397 = arith.constant 1 : i32
      %and3A_398 = vector.broadcast %and3A_397 : i32 to vector<16xi32>
      %and3A_399 = arith.andi %shift_right_logical3A_393, %and3A_398 : vector<16xi32>
      %eq3A_400 = arith.cmpi eq, %and3A_399, %and3A_9 : vector<16xi32>
      %and3A_401 = arith.andi %ge3A_396, %eq3A_400 : vector<16xi1>
      %select_n3A_402 = arith.select %and3A_401, %broadcast_in_dim3A_10, %broadcast_in_dim3A_12 : vector<16xi1>, vector<16xf32>
      %add3A_403 = arith.constant 10 : i32
      %add3A_404 = arith.addi %mul3A_22, %add3A_403 : i32
      %swap3A_405 = arith.index_cast %add3A_404 : i32 to index
      %swap3A_406 = arith.constant 0 : index
      %swap3A_407 = tpu.vector_load %arg5[%swap3A_405, %swap3A_406] {strides = array<i32>} : memref<256x32xf32, #tpu.memory_space<vmem>>, vector<1x16xf32>,
      %swap3A_408 = vector.shape_cast %swap3A_407 : vector<1x16xf32> to vector<16xf32>
      %swap3A_409 = vector.shape_cast %select_n3A_402 : vector<16xf32> to vector<1x16xf32>
      tpu.vector_store %arg5[%swap3A_405, %swap3A_406], %swap3A_409 {strides = array<i32>} : memref<256x32xf32, #tpu.memory_space<vmem>>, vector<1x16xf32>,
      %shift_right_logical3A_410 = arith.shrui %broadcast_in_dim3A_392, %add3A_7 : vector<16xi32>
      %ge3A_411 = arith.constant 2 : i32
      %ge3A_412 = vector.broadcast %ge3A_411 : i32 to vector<16xi32>
      %ge3A_413 = arith.cmpi sge, %shift_right_logical3A_410, %ge3A_412 : vector<16xi32>
      %and3A_414 = arith.constant 1 : i32
      %and3A_415 = vector.broadcast %and3A_414 : i32 to vector<16xi32>
      %and3A_416 = arith.andi %shift_right_logical3A_410, %and3A_415 : vector<16xi32>
      %eq3A_417 = arith.cmpi eq, %and3A_416, %and3A_9 : vector<16xi32>
      %and3A_418 = arith.andi %ge3A_413, %eq3A_417 : vector<16xi1>
      %select_n3A_419 = arith.select %and3A_418, %broadcast_in_dim3A_10, %broadcast_in_dim3A_12 : vector<16xi1>, vector<16xf32>
      %add3A_420 = arith.constant 10 : i32
      %add3A_421 = arith.addi %mul3A_22, %add3A_420 : i32
      %swap3A_422 = arith.index_cast %add3A_421 : i32 to index
      %swap3A_423 = arith.constant 16 : index
      %swap3A_424 = tpu.vector_load %arg5[%swap3A_422, %swap3A_423] {strides = array<i32>} : memref<256x32xf32, #tpu.memory_space<vmem>>, vector<1x16xf32>,
      %swap3A_425 = vector.shape_cast %swap3A_424 : vector<1x16xf32> to vector<16xf32>
      %swap3A_426 = vector.shape_cast %select_n3A_419 : vector<16xf32> to vector<1x16xf32>
      tpu.vector_store %arg5[%swap3A_422, %swap3A_423], %swap3A_426 {strides = array<i32>} : memref<256x32xf32, #tpu.memory_space<vmem>>, vector<1x16xf32>,
      %slice3A_427 = vector.extract_strided_slice %max3A_26 {offsets = [11], sizes = [1], strides = [1]} : vector<16xi32> to vector<1xi32>
      %squeeze3A_428 = vector.extract %slice3A_427[0] : i32 from vector<1xi32>
      %broadcast_in_dim3A_429 = vector.broadcast %squeeze3A_428 : i32 to vector<16xi32>
      %shift_right_logical3A_430 = arith.shrui %broadcast_in_dim3A_429, %shift_right_arithmetic3A_4 : vector<16xi32>
      %ge3A_431 = arith.constant 2 : i32
      %ge3A_432 = vector.broadcast %ge3A_431 : i32 to vector<16xi32>
      %ge3A_433 = arith.cmpi sge, %shift_right_logical3A_430, %ge3A_432 : vector<16xi32>
      %and3A_434 = arith.constant 1 : i32
      %and3A_435 = vector.broadcast %and3A_434 : i32 to vector<16xi32>
      %and3A_436 = arith.andi %shift_right_logical3A_430, %and3A_435 : vector<16xi32>
      %eq3A_437 = arith.cmpi eq, %and3A_436, %and3A_9 : vector<16xi32>
      %and3A_438 = arith.andi %ge3A_433, %eq3A_437 : vector<16xi1>
      %select_n3A_439 = arith.select %and3A_438, %broadcast_in_dim3A_10, %broadcast_in_dim3A_12 : vector<16xi1>, vector<16xf32>
      %add3A_440 = arith.constant 11 : i32
      %add3A_441 = arith.addi %mul3A_22, %add3A_440 : i32
      %swap3A_442 = arith.index_cast %add3A_441 : i32 to index
      %swap3A_443 = arith.constant 0 : index
      %swap3A_444 = tpu.vector_load %arg5[%swap3A_442, %swap3A_443] {strides = array<i32>} : memref<256x32xf32, #tpu.memory_space<vmem>>, vector<1x16xf32>,
      %swap3A_445 = vector.shape_cast %swap3A_444 : vector<1x16xf32> to vector<16xf32>
      %swap3A_446 = vector.shape_cast %select_n3A_439 : vector<16xf32> to vector<1x16xf32>
      tpu.vector_store %arg5[%swap3A_442, %swap3A_443], %swap3A_446 {strides = array<i32>} : memref<256x32xf32, #tpu.memory_space<vmem>>, vector<1x16xf32>,
      %shift_right_logical3A_447 = arith.shrui %broadcast_in_dim3A_429, %add3A_7 : vector<16xi32>
      %ge3A_448 = arith.constant 2 : i32
      %ge3A_449 = vector.broadcast %ge3A_448 : i32 to vector<16xi32>
      %ge3A_450 = arith.cmpi sge, %shift_right_logical3A_447, %ge3A_449 : vector<16xi32>
      %and3A_451 = arith.constant 1 : i32
      %and3A_452 = vector.broadcast %and3A_451 : i32 to vector<16xi32>
      %and3A_453 = arith.andi %shift_right_logical3A_447, %and3A_452 : vector<16xi32>
      %eq3A_454 = arith.cmpi eq, %and3A_453, %and3A_9 : vector<16xi32>
      %and3A_455 = arith.andi %ge3A_450, %eq3A_454 : vector<16xi1>
      %select_n3A_456 = arith.select %and3A_455, %broadcast_in_dim3A_10, %broadcast_in_dim3A_12 : vector<16xi1>, vector<16xf32>
      %add3A_457 = arith.constant 11 : i32
      %add3A_458 = arith.addi %mul3A_22, %add3A_457 : i32
      %swap3A_459 = arith.index_cast %add3A_458 : i32 to index
      %swap3A_460 = arith.constant 16 : index
      %swap3A_461 = tpu.vector_load %arg5[%swap3A_459, %swap3A_460] {strides = array<i32>} : memref<256x32xf32, #tpu.memory_space<vmem>>, vector<1x16xf32>,
      %swap3A_462 = vector.shape_cast %swap3A_461 : vector<1x16xf32> to vector<16xf32>
      %swap3A_463 = vector.shape_cast %select_n3A_456 : vector<16xf32> to vector<1x16xf32>
      tpu.vector_store %arg5[%swap3A_459, %swap3A_460], %swap3A_463 {strides = array<i32>} : memref<256x32xf32, #tpu.memory_space<vmem>>, vector<1x16xf32>,
      %slice3A_464 = vector.extract_strided_slice %max3A_26 {offsets = [12], sizes = [1], strides = [1]} : vector<16xi32> to vector<1xi32>
      %squeeze3A_465 = vector.extract %slice3A_464[0] : i32 from vector<1xi32>
      %broadcast_in_dim3A_466 = vector.broadcast %squeeze3A_465 : i32 to vector<16xi32>
      %shift_right_logical3A_467 = arith.shrui %broadcast_in_dim3A_466, %shift_right_arithmetic3A_4 : vector<16xi32>
      %ge3A_468 = arith.constant 2 : i32
      %ge3A_469 = vector.broadcast %ge3A_468 : i32 to vector<16xi32>
      %ge3A_470 = arith.cmpi sge, %shift_right_logical3A_467, %ge3A_469 : vector<16xi32>
      %and3A_471 = arith.constant 1 : i32
      %and3A_472 = vector.broadcast %and3A_471 : i32 to vector<16xi32>
      %and3A_473 = arith.andi %shift_right_logical3A_467, %and3A_472 : vector<16xi32>
      %eq3A_474 = arith.cmpi eq, %and3A_473, %and3A_9 : vector<16xi32>
      %and3A_475 = arith.andi %ge3A_470, %eq3A_474 : vector<16xi1>
      %select_n3A_476 = arith.select %and3A_475, %broadcast_in_dim3A_10, %broadcast_in_dim3A_12 : vector<16xi1>, vector<16xf32>
      %add3A_477 = arith.constant 12 : i32
      %add3A_478 = arith.addi %mul3A_22, %add3A_477 : i32
      %swap3A_479 = arith.index_cast %add3A_478 : i32 to index
      %swap3A_480 = arith.constant 0 : index
      %swap3A_481 = tpu.vector_load %arg5[%swap3A_479, %swap3A_480] {strides = array<i32>} : memref<256x32xf32, #tpu.memory_space<vmem>>, vector<1x16xf32>,
      %swap3A_482 = vector.shape_cast %swap3A_481 : vector<1x16xf32> to vector<16xf32>
      %swap3A_483 = vector.shape_cast %select_n3A_476 : vector<16xf32> to vector<1x16xf32>
      tpu.vector_store %arg5[%swap3A_479, %swap3A_480], %swap3A_483 {strides = array<i32>} : memref<256x32xf32, #tpu.memory_space<vmem>>, vector<1x16xf32>,
      %shift_right_logical3A_484 = arith.shrui %broadcast_in_dim3A_466, %add3A_7 : vector<16xi32>
      %ge3A_485 = arith.constant 2 : i32
      %ge3A_486 = vector.broadcast %ge3A_485 : i32 to vector<16xi32>
      %ge3A_487 = arith.cmpi sge, %shift_right_logical3A_484, %ge3A_486 : vector<16xi32>
      %and3A_488 = arith.constant 1 : i32
      %and3A_489 = vector.broadcast %and3A_488 : i32 to vector<16xi32>
      %and3A_490 = arith.andi %shift_right_logical3A_484, %and3A_489 : vector<16xi32>
      %eq3A_491 = arith.cmpi eq, %and3A_490, %and3A_9 : vector<16xi32>
      %and3A_492 = arith.andi %ge3A_487, %eq3A_491 : vector<16xi1>
      %select_n3A_493 = arith.select %and3A_492, %broadcast_in_dim3A_10, %broadcast_in_dim3A_12 : vector<16xi1>, vector<16xf32>
      %add3A_494 = arith.constant 12 : i32
      %add3A_495 = arith.addi %mul3A_22, %add3A_494 : i32
      %swap3A_496 = arith.index_cast %add3A_495 : i32 to index
      %swap3A_497 = arith.constant 16 : index
      %swap3A_498 = tpu.vector_load %arg5[%swap3A_496, %swap3A_497] {strides = array<i32>} : memref<256x32xf32, #tpu.memory_space<vmem>>, vector<1x16xf32>,
      %swap3A_499 = vector.shape_cast %swap3A_498 : vector<1x16xf32> to vector<16xf32>
      %swap3A_500 = vector.shape_cast %select_n3A_493 : vector<16xf32> to vector<1x16xf32>
      tpu.vector_store %arg5[%swap3A_496, %swap3A_497], %swap3A_500 {strides = array<i32>} : memref<256x32xf32, #tpu.memory_space<vmem>>, vector<1x16xf32>,
      %slice3A_501 = vector.extract_strided_slice %max3A_26 {offsets = [13], sizes = [1], strides = [1]} : vector<16xi32> to vector<1xi32>
      %squeeze3A_502 = vector.extract %slice3A_501[0] : i32 from vector<1xi32>
      %broadcast_in_dim3A_503 = vector.broadcast %squeeze3A_502 : i32 to vector<16xi32>
      %shift_right_logical3A_504 = arith.shrui %broadcast_in_dim3A_503, %shift_right_arithmetic3A_4 : vector<16xi32>
      %ge3A_505 = arith.constant 2 : i32
      %ge3A_506 = vector.broadcast %ge3A_505 : i32 to vector<16xi32>
      %ge3A_507 = arith.cmpi sge, %shift_right_logical3A_504, %ge3A_506 : vector<16xi32>
      %and3A_508 = arith.constant 1 : i32
      %and3A_509 = vector.broadcast %and3A_508 : i32 to vector<16xi32>
      %and3A_510 = arith.andi %shift_right_logical3A_504, %and3A_509 : vector<16xi32>
      %eq3A_511 = arith.cmpi eq, %and3A_510, %and3A_9 : vector<16xi32>
      %and3A_512 = arith.andi %ge3A_507, %eq3A_511 : vector<16xi1>
      %select_n3A_513 = arith.select %and3A_512, %broadcast_in_dim3A_10, %broadcast_in_dim3A_12 : vector<16xi1>, vector<16xf32>
      %add3A_514 = arith.constant 13 : i32
      %add3A_515 = arith.addi %mul3A_22, %add3A_514 : i32
      %swap3A_516 = arith.index_cast %add3A_515 : i32 to index
      %swap3A_517 = arith.constant 0 : index
      %swap3A_518 = tpu.vector_load %arg5[%swap3A_516, %swap3A_517] {strides = array<i32>} : memref<256x32xf32, #tpu.memory_space<vmem>>, vector<1x16xf32>,
      %swap3A_519 = vector.shape_cast %swap3A_518 : vector<1x16xf32> to vector<16xf32>
      %swap3A_520 = vector.shape_cast %select_n3A_513 : vector<16xf32> to vector<1x16xf32>
      tpu.vector_store %arg5[%swap3A_516, %swap3A_517], %swap3A_520 {strides = array<i32>} : memref<256x32xf32, #tpu.memory_space<vmem>>, vector<1x16xf32>,
      %shift_right_logical3A_521 = arith.shrui %broadcast_in_dim3A_503, %add3A_7 : vector<16xi32>
      %ge3A_522 = arith.constant 2 : i32
      %ge3A_523 = vector.broadcast %ge3A_522 : i32 to vector<16xi32>
      %ge3A_524 = arith.cmpi sge, %shift_right_logical3A_521, %ge3A_523 : vector<16xi32>
      %and3A_525 = arith.constant 1 : i32
      %and3A_526 = vector.broadcast %and3A_525 : i32 to vector<16xi32>
      %and3A_527 = arith.andi %shift_right_logical3A_521, %and3A_526 : vector<16xi32>
      %eq3A_528 = arith.cmpi eq, %and3A_527, %and3A_9 : vector<16xi32>
      %and3A_529 = arith.andi %ge3A_524, %eq3A_528 : vector<16xi1>
      %select_n3A_530 = arith.select %and3A_529, %broadcast_in_dim3A_10, %broadcast_in_dim3A_12 : vector<16xi1>, vector<16xf32>
      %add3A_531 = arith.constant 13 : i32
      %add3A_532 = arith.addi %mul3A_22, %add3A_531 : i32
      %swap3A_533 = arith.index_cast %add3A_532 : i32 to index
      %swap3A_534 = arith.constant 16 : index
      %swap3A_535 = tpu.vector_load %arg5[%swap3A_533, %swap3A_534] {strides = array<i32>} : memref<256x32xf32, #tpu.memory_space<vmem>>, vector<1x16xf32>,
      %swap3A_536 = vector.shape_cast %swap3A_535 : vector<1x16xf32> to vector<16xf32>
      %swap3A_537 = vector.shape_cast %select_n3A_530 : vector<16xf32> to vector<1x16xf32>
      tpu.vector_store %arg5[%swap3A_533, %swap3A_534], %swap3A_537 {strides = array<i32>} : memref<256x32xf32, #tpu.memory_space<vmem>>, vector<1x16xf32>,
      %slice3A_538 = vector.extract_strided_slice %max3A_26 {offsets = [14], sizes = [1], strides = [1]} : vector<16xi32> to vector<1xi32>
      %squeeze3A_539 = vector.extract %slice3A_538[0] : i32 from vector<1xi32>
      %broadcast_in_dim3A_540 = vector.broadcast %squeeze3A_539 : i32 to vector<16xi32>
      %shift_right_logical3A_541 = arith.shrui %broadcast_in_dim3A_540, %shift_right_arithmetic3A_4 : vector<16xi32>
      %ge3A_542 = arith.constant 2 : i32
      %ge3A_543 = vector.broadcast %ge3A_542 : i32 to vector<16xi32>
      %ge3A_544 = arith.cmpi sge, %shift_right_logical3A_541, %ge3A_543 : vector<16xi32>
      %and3A_545 = arith.constant 1 : i32
      %and3A_546 = vector.broadcast %and3A_545 : i32 to vector<16xi32>
      %and3A_547 = arith.andi %shift_right_logical3A_541, %and3A_546 : vector<16xi32>
      %eq3A_548 = arith.cmpi eq, %and3A_547, %and3A_9 : vector<16xi32>
      %and3A_549 = arith.andi %ge3A_544, %eq3A_548 : vector<16xi1>
      %select_n3A_550 = arith.select %and3A_549, %broadcast_in_dim3A_10, %broadcast_in_dim3A_12 : vector<16xi1>, vector<16xf32>
      %add3A_551 = arith.constant 14 : i32
      %add3A_552 = arith.addi %mul3A_22, %add3A_551 : i32
      %swap3A_553 = arith.index_cast %add3A_552 : i32 to index
      %swap3A_554 = arith.constant 0 : index
      %swap3A_555 = tpu.vector_load %arg5[%swap3A_553, %swap3A_554] {strides = array<i32>} : memref<256x32xf32, #tpu.memory_space<vmem>>, vector<1x16xf32>,
      %swap3A_556 = vector.shape_cast %swap3A_555 : vector<1x16xf32> to vector<16xf32>
      %swap3A_557 = vector.shape_cast %select_n3A_550 : vector<16xf32> to vector<1x16xf32>
      tpu.vector_store %arg5[%swap3A_553, %swap3A_554], %swap3A_557 {strides = array<i32>} : memref<256x32xf32, #tpu.memory_space<vmem>>, vector<1x16xf32>,
      %shift_right_logical3A_558 = arith.shrui %broadcast_in_dim3A_540, %add3A_7 : vector<16xi32>
      %ge3A_559 = arith.constant 2 : i32
      %ge3A_560 = vector.broadcast %ge3A_559 : i32 to vector<16xi32>
      %ge3A_561 = arith.cmpi sge, %shift_right_logical3A_558, %ge3A_560 : vector<16xi32>
      %and3A_562 = arith.constant 1 : i32
      %and3A_563 = vector.broadcast %and3A_562 : i32 to vector<16xi32>
      %and3A_564 = arith.andi %shift_right_logical3A_558, %and3A_563 : vector<16xi32>
      %eq3A_565 = arith.cmpi eq, %and3A_564, %and3A_9 : vector<16xi32>
      %and3A_566 = arith.andi %ge3A_561, %eq3A_565 : vector<16xi1>
      %select_n3A_567 = arith.select %and3A_566, %broadcast_in_dim3A_10, %broadcast_in_dim3A_12 : vector<16xi1>, vector<16xf32>
      %add3A_568 = arith.constant 14 : i32
      %add3A_569 = arith.addi %mul3A_22, %add3A_568 : i32
      %swap3A_570 = arith.index_cast %add3A_569 : i32 to index
      %swap3A_571 = arith.constant 16 : index
      %swap3A_572 = tpu.vector_load %arg5[%swap3A_570, %swap3A_571] {strides = array<i32>} : memref<256x32xf32, #tpu.memory_space<vmem>>, vector<1x16xf32>,
      %swap3A_573 = vector.shape_cast %swap3A_572 : vector<1x16xf32> to vector<16xf32>
      %swap3A_574 = vector.shape_cast %select_n3A_567 : vector<16xf32> to vector<1x16xf32>
      tpu.vector_store %arg5[%swap3A_570, %swap3A_571], %swap3A_574 {strides = array<i32>} : memref<256x32xf32, #tpu.memory_space<vmem>>, vector<1x16xf32>,
      %slice3A_575 = vector.extract_strided_slice %max3A_26 {offsets = [15], sizes = [1], strides = [1]} : vector<16xi32> to vector<1xi32>
      %squeeze3A_576 = vector.extract %slice3A_575[0] : i32 from vector<1xi32>
      %broadcast_in_dim3A_577 = vector.broadcast %squeeze3A_576 : i32 to vector<16xi32>
      %shift_right_logical3A_578 = arith.shrui %broadcast_in_dim3A_577, %shift_right_arithmetic3A_4 : vector<16xi32>
      %ge3A_579 = arith.constant 2 : i32
      %ge3A_580 = vector.broadcast %ge3A_579 : i32 to vector<16xi32>
      %ge3A_581 = arith.cmpi sge, %shift_right_logical3A_578, %ge3A_580 : vector<16xi32>
      %and3A_582 = arith.constant 1 : i32
      %and3A_583 = vector.broadcast %and3A_582 : i32 to vector<16xi32>
      %and3A_584 = arith.andi %shift_right_logical3A_578, %and3A_583 : vector<16xi32>
      %eq3A_585 = arith.cmpi eq, %and3A_584, %and3A_9 : vector<16xi32>
      %and3A_586 = arith.andi %ge3A_581, %eq3A_585 : vector<16xi1>
      %select_n3A_587 = arith.select %and3A_586, %broadcast_in_dim3A_10, %broadcast_in_dim3A_12 : vector<16xi1>, vector<16xf32>
      %add3A_588 = arith.constant 15 : i32
      %add3A_589 = arith.addi %mul3A_22, %add3A_588 : i32
      %swap3A_590 = arith.index_cast %add3A_589 : i32 to index
      %swap3A_591 = arith.constant 0 : index
      %swap3A_592 = tpu.vector_load %arg5[%swap3A_590, %swap3A_591] {strides = array<i32>} : memref<256x32xf32, #tpu.memory_space<vmem>>, vector<1x16xf32>,
      %swap3A_593 = vector.shape_cast %swap3A_592 : vector<1x16xf32> to vector<16xf32>
      %swap3A_594 = vector.shape_cast %select_n3A_587 : vector<16xf32> to vector<1x16xf32>
      tpu.vector_store %arg5[%swap3A_590, %swap3A_591], %swap3A_594 {strides = array<i32>} : memref<256x32xf32, #tpu.memory_space<vmem>>, vector<1x16xf32>,
      %shift_right_logical3A_595 = arith.shrui %broadcast_in_dim3A_577, %add3A_7 : vector<16xi32>
      %ge3A_596 = arith.constant 2 : i32
      %ge3A_597 = vector.broadcast %ge3A_596 : i32 to vector<16xi32>
      %ge3A_598 = arith.cmpi sge, %shift_right_logical3A_595, %ge3A_597 : vector<16xi32>
      %and3A_599 = arith.constant 1 : i32
      %and3A_600 = vector.broadcast %and3A_599 : i32 to vector<16xi32>
      %and3A_601 = arith.andi %shift_right_logical3A_595, %and3A_600 : vector<16xi32>
      %eq3A_602 = arith.cmpi eq, %and3A_601, %and3A_9 : vector<16xi32>
      %and3A_603 = arith.andi %ge3A_598, %eq3A_602 : vector<16xi1>
      %select_n3A_604 = arith.select %and3A_603, %broadcast_in_dim3A_10, %broadcast_in_dim3A_12 : vector<16xi1>, vector<16xf32>
      %add3A_605 = arith.constant 15 : i32
      %add3A_606 = arith.addi %mul3A_22, %add3A_605 : i32
      %swap3A_607 = arith.index_cast %add3A_606 : i32 to index
      %swap3A_608 = arith.constant 16 : index
      %swap3A_609 = tpu.vector_load %arg5[%swap3A_607, %swap3A_608] {strides = array<i32>} : memref<256x32xf32, #tpu.memory_space<vmem>>, vector<1x16xf32>,
      %swap3A_610 = vector.shape_cast %swap3A_609 : vector<1x16xf32> to vector<16xf32>
      %swap3A_611 = vector.shape_cast %select_n3A_604 : vector<16xf32> to vector<1x16xf32>
      tpu.vector_store %arg5[%swap3A_607, %swap3A_608], %swap3A_611 {strides = array<i32>} : memref<256x32xf32, #tpu.memory_space<vmem>>, vector<1x16xf32>,
      %scan3A_612 = arith.constant 0 : i32
      scf.yield %scan3A_612 : i32
    }
    %scan3A_18 = arith.constant 16 : i32
    "tpu.region"() ({
      %run_scoped3A = tpu.sem_alloc : memref<!tpu.dma_semaphore, #tpu.memory_space<semaphore_mem>>
      %dma_start3A = arith.constant 0 : i32
      %dma_start3A_19 = tpu.memref_slice %arg3[%mul3A_2, %dma_start3A] : memref<8192x32xf32, #tpu.memory_space<hbm>> -> memref<256x32xf32, #tpu.memory_space<hbm>>
      %dma_start3A_20 = arith.constant 0 : i32
      %dma_start3A_21 = tpu.memref_slice %arg3[%mul3A_2, %dma_start3A_20] : memref<8192x32xf32, #tpu.memory_space<hbm>> -> memref<256x32xf32, #tpu.memory_space<hbm>>
      tpu.enqueue_dma source(%arg5 : memref<256x32xf32, #tpu.memory_space<vmem>>) target(%dma_start3A_21 : memref<256x32xf32, #tpu.memory_space<hbm>>) target_semaphore(%run_scoped3A : memref<!tpu.dma_semaphore, #tpu.memory_space<semaphore_mem>>)
      %dma_wait3A = arith.constant 0 : i32
      %dma_wait3A_22 = tpu.memref_slice %arg3[%mul3A_2, %dma_wait3A] : memref<8192x32xf32, #tpu.memory_space<hbm>> -> memref<256x32xf32, #tpu.memory_space<hbm>>
      %dma_wait3A_23 = arith.constant 0 : i32
      %dma_wait3A_24 = tpu.memref_slice %arg3[%mul3A_2, %dma_wait3A_23] : memref<8192x32xf32, #tpu.memory_space<hbm>> -> memref<256x32xf32, #tpu.memory_space<hbm>>
      tpu.wait_dma2 semaphore(%run_scoped3A : memref<!tpu.dma_semaphore, #tpu.memory_space<semaphore_mem>>) src(%arg5 : memref<256x32xf32, #tpu.memory_space<vmem>>) dst(%dma_wait3A_24 : memref<256x32xf32, #tpu.memory_space<hbm>>)
      tpu.yield
    }) : () -> ()
    return
  }
}

module attributes {stable_mosaic.version = 14 : i64} {
  func.func @body(%arg0: i32, %arg1: memref<1x32xf32, #tpu.memory_space<vmem>>, %arg2: memref<8x2048xi32, #tpu.memory_space<vmem>>, %arg3: memref<2048x1024xf32, #tpu.memory_space<vmem>>) attributes {dimension_semantics = [#tpu.dimension_semantics<arbitrary>], iteration_bounds = array<i64: 4>, scalar_prefetch = 0 : i64, scratch_operands = 0 : i64, tpu.core_type = #tpu.core_type<tc>, window_params = [{pipeline_mode = #tpu.pipeline_mode<synchronous>, transform_indices = @transform_0, window_bounds = array<i64: 1, 32>}, {pipeline_mode = #tpu.pipeline_mode<synchronous>, transform_indices = @transform_1, window_bounds = array<i64: 8, 2048>}, {transform_indices = @transform_2, window_bounds = array<i64: 2048, 1024>}]} {
    %get3A = arith.constant 0 : index
    %get3A_0 = arith.constant 0 : index
    %get3A_1 = vector.load %arg1[%get3A, %get3A_0] : memref<1x32xf32, #tpu.memory_space<vmem>>, vector<1x32xf32>
    %tanh3A = math.tanh %get3A_1 : vector<1x32xf32>
    %mul3A = arith.mulf %tanh3A, %tanh3A : vector<1x32xf32>
    %sub3A = arith.constant 1.000000e+00 : f32
    %sub3A_2 = vector.broadcast %sub3A : f32 to vector<1x32xf32>
    %sub3A_3 = arith.subf %sub3A_2, %mul3A : vector<1x32xf32>
    %mul3A_4 = arith.constant 1.600000e+01 : f32
    %mul3A_5 = vector.broadcast %mul3A_4 : f32 to vector<1x32xf32>
    %mul3A_6 = arith.mulf %sub3A_3, %mul3A_5 : vector<1x32xf32>
    %sqrt3A = math.sqrt %mul3A_6 : vector<1x32xf32>
    %mul3A_7 = arith.mulf %sqrt3A, %tanh3A : vector<1x32xf32>
    %mul3A_8 = arith.mulf %mul3A_7, %tanh3A : vector<1x32xf32>
    %mul3A_9 = arith.mulf %mul3A_8, %tanh3A : vector<1x32xf32>
    %mul3A_10 = arith.mulf %mul3A_9, %tanh3A : vector<1x32xf32>
    %mul3A_11 = arith.mulf %mul3A_10, %tanh3A : vector<1x32xf32>
    %mul3A_12 = arith.mulf %mul3A_11, %tanh3A : vector<1x32xf32>
    %mul3A_13 = arith.mulf %mul3A_12, %tanh3A : vector<1x32xf32>
    %mul3A_14 = arith.mulf %mul3A_13, %tanh3A : vector<1x32xf32>
    %mul3A_15 = arith.mulf %mul3A_14, %tanh3A : vector<1x32xf32>
    %mul3A_16 = arith.mulf %mul3A_15, %tanh3A : vector<1x32xf32>
    %mul3A_17 = arith.mulf %mul3A_16, %tanh3A : vector<1x32xf32>
    %mul3A_18 = arith.mulf %mul3A_17, %tanh3A : vector<1x32xf32>
    %mul3A_19 = arith.mulf %mul3A_18, %tanh3A : vector<1x32xf32>
    %mul3A_20 = arith.mulf %mul3A_19, %tanh3A : vector<1x32xf32>
    %mul3A_21 = arith.mulf %mul3A_20, %tanh3A : vector<1x32xf32>
    %concatenate3A = tpu.concatenate %sqrt3A, %mul3A_7, %mul3A_8, %mul3A_9, %mul3A_10, %mul3A_11, %mul3A_12, %mul3A_13, %mul3A_14, %mul3A_15, %mul3A_16, %mul3A_17, %mul3A_18, %mul3A_19, %mul3A_20, %mul3A_21, %sqrt3A, %mul3A_7, %mul3A_8, %mul3A_9, %mul3A_10, %mul3A_11, %mul3A_12, %mul3A_13, %mul3A_14, %mul3A_15, %mul3A_16, %mul3A_17, %mul3A_18, %mul3A_19, %mul3A_20, %mul3A_21 in 1 : vector<1x32xf32>, vector<1x32xf32>, vector<1x32xf32>, vector<1x32xf32>, vector<1x32xf32>, vector<1x32xf32>, vector<1x32xf32>, vector<1x32xf32>, vector<1x32xf32>, vector<1x32xf32>, vector<1x32xf32>, vector<1x32xf32>, vector<1x32xf32>, vector<1x32xf32>, vector<1x32xf32>, vector<1x32xf32>, vector<1x32xf32>, vector<1x32xf32>, vector<1x32xf32>, vector<1x32xf32>, vector<1x32xf32>, vector<1x32xf32>, vector<1x32xf32>, vector<1x32xf32>, vector<1x32xf32>, vector<1x32xf32>, vector<1x32xf32>, vector<1x32xf32>, vector<1x32xf32>, vector<1x32xf32>, vector<1x32xf32>, vector<1x32xf32> -> vector<1x1024xf32>
    %iota3A = tpu.iota {dimensions = array<i32: 1>} : vector<1x1024xi32>
    %and3A = arith.constant 31 : i32
    %and3A_22 = vector.broadcast %and3A : i32 to vector<1x1024xi32>
    %and3A_23 = arith.andi %iota3A, %and3A_22 : vector<1x1024xi32>
    %shift_right_arithmetic3A = arith.constant 1 : i32
    %shift_right_arithmetic3A_24 = vector.broadcast %shift_right_arithmetic3A : i32 to vector<1x1024xi32>
    %shift_right_arithmetic3A_25 = arith.shrsi %and3A_23, %shift_right_arithmetic3A_24 : vector<1x1024xi32>
    %and3A_26 = arith.constant 1 : i32
    %and3A_27 = vector.broadcast %and3A_26 : i32 to vector<1x1024xi32>
    %and3A_28 = arith.andi %iota3A, %and3A_27 : vector<1x1024xi32>
    %add3A = arith.constant 4 : i32
    %add3A_29 = arith.addi %arg0, %add3A : i32
    %get3A_30 = arith.index_cast %add3A_29 : i32 to index
    %get3A_31 = arith.constant 0 : index
    %get3A_32 = vector.load %arg2[%get3A_30, %get3A_31] : memref<8x2048xi32, #tpu.memory_space<vmem>>, vector<1x2048xi32>
    %transpose3A = tpu.transpose %get3A_32, [1, 0] : vector<1x2048xi32> -> vector<2048x1xi32>
    %max3A = arith.constant 1 : i32
    %max3A_33 = vector.broadcast %max3A : i32 to vector<2048x1xi32>
    %max3A_34 = arith.maxsi %transpose3A, %max3A_33 : vector<2048x1xi32>
    %broadcast_in_dim3A = vector.shape_cast %max3A_34 : vector<2048x1xi32> to vector<2048x1xi32>
    %broadcast_in_dim3A_35 = vector.broadcast %broadcast_in_dim3A : vector<2048x1xi32> to vector<2048x1024xi32>
    %broadcast_in_dim3A_36 = vector.shape_cast %shift_right_arithmetic3A_25 : vector<1x1024xi32> to vector<1x1024xi32>
    %broadcast_in_dim3A_37 = vector.broadcast %broadcast_in_dim3A_36 : vector<1x1024xi32> to vector<2048x1024xi32>
    %shift_right_logical3A = arith.shrui %broadcast_in_dim3A_35, %broadcast_in_dim3A_37 : vector<2048x1024xi32>
    %ge3A = arith.constant 2 : i32
    %ge3A_38 = vector.broadcast %ge3A : i32 to vector<2048x1024xi32>
    %ge3A_39 = arith.cmpi sge, %shift_right_logical3A, %ge3A_38 : vector<2048x1024xi32>
    %and3A_40 = arith.constant 1 : i32
    %and3A_41 = vector.broadcast %and3A_40 : i32 to vector<2048x1024xi32>
    %and3A_42 = arith.andi %shift_right_logical3A, %and3A_41 : vector<2048x1024xi32>
    %broadcast_in_dim3A_43 = vector.shape_cast %and3A_28 : vector<1x1024xi32> to vector<1x1024xi32>
    %broadcast_in_dim3A_44 = vector.broadcast %broadcast_in_dim3A_43 : vector<1x1024xi32> to vector<2048x1024xi32>
    %eq3A = arith.cmpi eq, %and3A_42, %broadcast_in_dim3A_44 : vector<2048x1024xi32>
    %and3A_45 = arith.andi %ge3A_39, %eq3A : vector<2048x1024xi1>
    %broadcast_in_dim3A_46 = vector.shape_cast %concatenate3A : vector<1x1024xf32> to vector<1x1024xf32>
    %broadcast_in_dim3A_47 = vector.broadcast %broadcast_in_dim3A_46 : vector<1x1024xf32> to vector<2048x1024xf32>
    %jit3A = arith.constant 0.000000e+00 : f32
    %broadcast_in_dim3A_48 = vector.broadcast %jit3A : f32 to vector<2048x1024xf32>
    %select_n3A = arith.select %and3A_45, %broadcast_in_dim3A_47, %broadcast_in_dim3A_48 : vector<2048x1024xi1>, vector<2048x1024xf32>
    %swap3A = arith.constant 0 : index
    %swap3A_49 = arith.constant 0 : index
    %swap3A_50 = vector.load %arg3[%swap3A, %swap3A_49] : memref<2048x1024xf32, #tpu.memory_space<vmem>>, vector<2048x1024xf32>
    tpu.vector_store %arg3[%swap3A, %swap3A_49], %select_n3A {strides = array<i32>} : memref<2048x1024xf32, #tpu.memory_space<vmem>>, vector<2048x1024xf32>,
    return
  }
  func.func @transform_0(%arg0: i32) -> (i32, i32) {
    %c0_i32 = arith.constant 0 : i32
    %c0_i32_0 = arith.constant 0 : i32
    %c0_i32_1 = arith.constant 0 : i32
    return %c0_i32, %c0_i32_0 : i32, i32
  }
  func.func @transform_1(%arg0: i32) -> (i32, i32) {
    %c0_i32 = arith.constant 0 : i32
    %c0_i32_0 = arith.constant 0 : i32
    %c0_i32_1 = arith.constant 0 : i32
    return %c0_i32, %c0_i32_0 : i32, i32
  }
  func.func @transform_2(%arg0: i32) -> (i32, i32) {
    %add3A = arith.constant 4 : i32
    %add3A_0 = arith.addi %arg0, %add3A : i32
    %c0_i32 = arith.constant 0 : i32
    %c0_i32_1 = arith.constant 0 : i32
    return %add3A_0, %c0_i32 : i32, i32
  }
}

module attributes {stable_mosaic.version = 14 : i64} {
  func.func @body(%arg0: i32, %arg1: memref<1x32xf32, #tpu.memory_space<vmem>>, %arg2: memref<2048x32xf32, #tpu.memory_space<vmem>>, %arg3: memref<16384x1024xf32, #tpu.memory_space<any>>, %arg4: memref<2048x1024xf32, #tpu.memory_space<vmem>>) attributes {dimension_semantics = [#tpu.dimension_semantics<arbitrary>], iteration_bounds = array<i64: 4>, scalar_prefetch = 0 : i64, scratch_operands = 0 : i64, tpu.core_type = #tpu.core_type<tc>, window_params = [{pipeline_mode = #tpu.pipeline_mode<synchronous>, transform_indices = @transform_0, window_bounds = array<i64: 1, 32>}, {transform_indices = @transform_1, window_bounds = array<i64: 2048, 32>}, {}, {transform_indices = @transform_3, window_bounds = array<i64: 2048, 1024>}]} {
    %get3A = arith.constant 0 : index
    %get3A_0 = arith.constant 0 : index
    %get3A_1 = vector.load %arg1[%get3A, %get3A_0] : memref<1x32xf32, #tpu.memory_space<vmem>>, vector<1x32xf32>
    %tanh3A = math.tanh %get3A_1 : vector<1x32xf32>
    %mul3A = arith.mulf %tanh3A, %tanh3A : vector<1x32xf32>
    %sub3A = arith.constant 1.000000e+00 : f32
    %sub3A_2 = vector.broadcast %sub3A : f32 to vector<1x32xf32>
    %sub3A_3 = arith.subf %sub3A_2, %mul3A : vector<1x32xf32>
    %mul3A_4 = arith.constant 1.600000e+01 : f32
    %mul3A_5 = vector.broadcast %mul3A_4 : f32 to vector<1x32xf32>
    %mul3A_6 = arith.mulf %sub3A_3, %mul3A_5 : vector<1x32xf32>
    %sqrt3A = math.sqrt %mul3A_6 : vector<1x32xf32>
    %mul3A_7 = arith.mulf %sqrt3A, %tanh3A : vector<1x32xf32>
    %mul3A_8 = arith.mulf %mul3A_7, %tanh3A : vector<1x32xf32>
    %mul3A_9 = arith.mulf %mul3A_8, %tanh3A : vector<1x32xf32>
    %mul3A_10 = arith.mulf %mul3A_9, %tanh3A : vector<1x32xf32>
    %mul3A_11 = arith.mulf %mul3A_10, %tanh3A : vector<1x32xf32>
    %mul3A_12 = arith.mulf %mul3A_11, %tanh3A : vector<1x32xf32>
    %mul3A_13 = arith.mulf %mul3A_12, %tanh3A : vector<1x32xf32>
    %mul3A_14 = arith.mulf %mul3A_13, %tanh3A : vector<1x32xf32>
    %mul3A_15 = arith.mulf %mul3A_14, %tanh3A : vector<1x32xf32>
    %mul3A_16 = arith.mulf %mul3A_15, %tanh3A : vector<1x32xf32>
    %mul3A_17 = arith.mulf %mul3A_16, %tanh3A : vector<1x32xf32>
    %mul3A_18 = arith.mulf %mul3A_17, %tanh3A : vector<1x32xf32>
    %mul3A_19 = arith.mulf %mul3A_18, %tanh3A : vector<1x32xf32>
    %mul3A_20 = arith.mulf %mul3A_19, %tanh3A : vector<1x32xf32>
    %mul3A_21 = arith.mulf %mul3A_20, %tanh3A : vector<1x32xf32>
    %concatenate3A = tpu.concatenate %sqrt3A, %mul3A_7, %mul3A_8, %mul3A_9, %mul3A_10, %mul3A_11, %mul3A_12, %mul3A_13, %mul3A_14, %mul3A_15, %mul3A_16, %mul3A_17, %mul3A_18, %mul3A_19, %mul3A_20, %mul3A_21, %sqrt3A, %mul3A_7, %mul3A_8, %mul3A_9, %mul3A_10, %mul3A_11, %mul3A_12, %mul3A_13, %mul3A_14, %mul3A_15, %mul3A_16, %mul3A_17, %mul3A_18, %mul3A_19, %mul3A_20, %mul3A_21 in 1 : vector<1x32xf32>, vector<1x32xf32>, vector<1x32xf32>, vector<1x32xf32>, vector<1x32xf32>, vector<1x32xf32>, vector<1x32xf32>, vector<1x32xf32>, vector<1x32xf32>, vector<1x32xf32>, vector<1x32xf32>, vector<1x32xf32>, vector<1x32xf32>, vector<1x32xf32>, vector<1x32xf32>, vector<1x32xf32>, vector<1x32xf32>, vector<1x32xf32>, vector<1x32xf32>, vector<1x32xf32>, vector<1x32xf32>, vector<1x32xf32>, vector<1x32xf32>, vector<1x32xf32>, vector<1x32xf32>, vector<1x32xf32>, vector<1x32xf32>, vector<1x32xf32>, vector<1x32xf32>, vector<1x32xf32>, vector<1x32xf32>, vector<1x32xf32> -> vector<1x1024xf32>
    %get3A_22 = arith.constant 0 : index
    %get3A_23 = arith.constant 0 : index
    %get3A_24 = vector.load %arg2[%get3A_22, %get3A_23] : memref<2048x32xf32, #tpu.memory_space<vmem>>, vector<2048x32xf32>
    %concatenate3A_25 = tpu.concatenate %get3A_24, %get3A_24, %get3A_24, %get3A_24, %get3A_24, %get3A_24, %get3A_24, %get3A_24, %get3A_24, %get3A_24, %get3A_24, %get3A_24, %get3A_24, %get3A_24, %get3A_24, %get3A_24, %get3A_24, %get3A_24, %get3A_24, %get3A_24, %get3A_24, %get3A_24, %get3A_24, %get3A_24, %get3A_24, %get3A_24, %get3A_24, %get3A_24, %get3A_24, %get3A_24, %get3A_24, %get3A_24 in 1 : vector<2048x32xf32>, vector<2048x32xf32>, vector<2048x32xf32>, vector<2048x32xf32>, vector<2048x32xf32>, vector<2048x32xf32>, vector<2048x32xf32>, vector<2048x32xf32>, vector<2048x32xf32>, vector<2048x32xf32>, vector<2048x32xf32>, vector<2048x32xf32>, vector<2048x32xf32>, vector<2048x32xf32>, vector<2048x32xf32>, vector<2048x32xf32>, vector<2048x32xf32>, vector<2048x32xf32>, vector<2048x32xf32>, vector<2048x32xf32>, vector<2048x32xf32>, vector<2048x32xf32>, vector<2048x32xf32>, vector<2048x32xf32>, vector<2048x32xf32>, vector<2048x32xf32>, vector<2048x32xf32>, vector<2048x32xf32>, vector<2048x32xf32>, vector<2048x32xf32>, vector<2048x32xf32>, vector<2048x32xf32> -> vector<2048x1024xf32>
    %mul3A_26 = vector.broadcast %concatenate3A : vector<1x1024xf32> to vector<2048x1024xf32>
    %mul3A_27 = arith.mulf %concatenate3A_25, %mul3A_26 : vector<2048x1024xf32>
    %swap3A = arith.constant 0 : index
    %swap3A_28 = arith.constant 0 : index
    %swap3A_29 = vector.load %arg4[%swap3A, %swap3A_28] : memref<2048x1024xf32, #tpu.memory_space<vmem>>, vector<2048x1024xf32>
    tpu.vector_store %arg4[%swap3A, %swap3A_28], %mul3A_27 {strides = array<i32>} : memref<2048x1024xf32, #tpu.memory_space<vmem>>, vector<2048x1024xf32>,
    return
  }
  func.func @transform_0(%arg0: i32) -> (i32, i32) {
    %c0_i32 = arith.constant 0 : i32
    %c0_i32_0 = arith.constant 0 : i32
    %c0_i32_1 = arith.constant 0 : i32
    return %c0_i32, %c0_i32_0 : i32, i32
  }
  func.func @transform_1(%arg0: i32) -> (i32, i32) {
    %c0_i32 = arith.constant 0 : i32
    %c0_i32_0 = arith.constant 0 : i32
    return %arg0, %c0_i32 : i32, i32
  }
  func.func @transform_3(%arg0: i32) -> (i32, i32) {
    %c0_i32 = arith.constant 0 : i32
    %c0_i32_0 = arith.constant 0 : i32
    return %arg0, %c0_i32 : i32, i32
  }
}

</mosaic_0001>

<sc_bundles>
// kernel: kernel.5.cloned.1.call-start
scs
__scs_entry_jumppad:
0x0: {  	(pc) =	sbr.rel $0x88, $3  }
0x1: {  	(tag) =	ssettag $0x0;
	lr =	simm.s32 $0x1  }
0x2: {  	[smem:$0x3F9F] =	sst lr;
	_ =	strace $0xD0000000  }
0x3: {  	_ = 	snop  }
0x4: {  	_ = 	snop  }
0x5: {  	_ = 	snop  }
0x6: {  	_ = 	snop  }
0x7: {  	_ = 	snop  }
__scs_overlays_trampoline_lowered:
0x8: {  	[smem:$0x3FAE] =	sst s0  }
0x9: {  	[smem:$0x3FAF] =	sst s1  }
0xa: {  	[smem:$0x3FB0] =	sst s2  }
0xb: {  	[smem:$0x3FB1] =	sst s3  }
0xc: {  	[smem:$0x3FB2] =	sst s4  }
0xd: {  	[smem:$0x3FB3] =	sst s5  }
0xe: {  	[smem:$0x3FB4] =	sst s6  }
0xf: {  	[smem:$0x3FB5] =	sst s7  }
0x10: {  	[smem:$0x3FB6] =	sst s8  }
0x11: {  	[smem:$0x3FB7] =	sst s9;
	s0 =	simm.s32 @!p0 $0x0  }
0x12: {  	s1 =	sld [smem:$0x3F9D];
	s0 =	simm.s32 @p0 $0x1  }
0x13: {  	[smem:$0x3FB8] =	sst s0;
	s0 =	simm.s32 @!p1 $0x0  }
0x14: {  	s2 =	sld [smem:$0x3F9C];
	s0 =	simm.s32 @p1 $0x1  }
0x15: {  	[smem:$0x3FB9] =	sst s0;
	s0 =	simm.s32 @!p2 $0x0  }
0x16: {  	s3 =	sld [smem:$0x3FDB];
	s0 =	simm.s32 @p2 $0x1  }
0x17: {  	s4 =	simm.s32 $0x1BF5;
	[smem:$0x3FBB] =	sst s0  }
0x18: {  	s0 =	sld [smem:$0x3F9E];
	_ =	swait.ge [sflag:s4], $0x0  }
0x19: {  	s7 =	sld [smem:$0x3F9F]  }
0x1a: {  	s8 =	sadd.s32 $0xFFFFE003, lr  }
0x1b: {  	s9 =	sadd.s32 $0xFFFFFEF7, lr;
	s5 =	simm.s32 $0xFFFFFFFF;
	p2 =	slt.u32 s8, $0xFFFFF086  }
0x1c: {  	p1 =	slt.u32 s9, $0xF7A;
	s5 =	simm.s32 @!p2 $0x0  }
0x1d: {  	s5 =	simm.s32 @p1 $0x1;
	p0 =	seq.s32 s7, s2  }
0x1e: {  	s7 =	smul.u32 @!p0 $0xF7A, s2;
	p2 =	seq.s32 @!p0 s5, $0x0  }
0x1f: {  	s9 =	smul.u32 $0xF7A, s1;
	s8 =	simm.s32 @!p0 $0x1BF5;
	p2 =	por !p2, p0  }
0x20: {  	[sflag:s8] =	ssyncset.s32 @!p0 $0xFFFFF086;
	s6 =	sadd.s32 @!p0 s3, s7;
	s7 =	simm.s32 @!p0 $0x108  }
0x21: {  	s3 =	sadd.s32 s3, s9;
	s6 =	sadd.s32 @!p0 $0x88, s6;
	s7 =	simm.s32 @p2 $0x1082  }
0x22: {  	[simem:s7], [sflag:s8] =	dma.local @!p0 [hbm:s6], $0xF7A  }
0x23: {  	s9 =	sor.u32 $0xD0000000, s2;
	s6 =	simm.s32 $0x108;
	_ =	swait.ge @!p0 [sflag:s8], $0x0  }
0x24: {  	s3 =	sadd.s32 $0x88, s3;
	s6 =	simm.s32 @!p1 $0x1082;
	[sflag:s4] =	ssyncset.s32 $0xFFFFF086  }
0x25: {  	[simem:s6], [sflag:s4] =	dma.local [hbm:s3], $0xF7A  }
0x26: {  	[smem:$0x3F9F] =	sst s1;
	(tag) =	ssettag s2;
	_ =	strace s9  }
0x27: {  	s1 =	sld [smem:$0x3FAF]  }
0x28: {  	s2 =	sld [smem:$0x3FB0]  }
0x29: {  	s4 =	sld [smem:$0x3FB2]  }
0x2a: {  	p0 =	seq.s32 s5, $0x0;
	s5 =	sld [smem:$0x3FB3]  }
0x2b: {  	s6 =	sld [smem:$0x3FB4]  }
0x2c: {  	s7 =	sld [smem:$0x3FB5]  }
0x2d: {  	s3 =	simm.s32 $0x108;
	s8 =	sld [smem:$0x3FB6]  }
0x2e: {  	s3 =	simm.s32 @!p0 $0x1082;
	s9 =	sld [smem:$0x3FB7]  }
0x2f: {  	lr =	sadd.s32 s0, s3;
	s0 =	sld [smem:$0x3FAE]  }
0x30: {  	s3 =	sld [smem:$0x3FB1]  }
0x31: {  	[smem:$0x3FBA] =	sst s10  }
0x32: {  	s10 =	sld [smem:$0x3FB8];
	_ =	sdelay $0x3  }
0x33: {  	p0 =	seq.s32 s10, $0x1;
	s10 =	sld [smem:$0x3FBA];
	_ =	sdelay $0x3  }
0x34: {  	[smem:$0x3FBA] =	sst s10  }
0x35: {  	s10 =	sld [smem:$0x3FB9];
	_ =	sdelay $0x3  }
0x36: {  	p1 =	seq.s32 s10, $0x1;
	s10 =	sld [smem:$0x3FBA];
	_ =	sdelay $0x3  }
0x37: {  	[smem:$0x3FBA] =	sst s10  }
0x38: {  	s10 =	sld [smem:$0x3FBB]  }
0x39: {  	_ = 	snop;
	(pc) =	sbr.ind lr, $3  }
0x3a: {  	_ = 	snop  }
0x3b: {  	_ = 	snop  }
0x3c: {  	p2 =	seq.s32 s10, $0x1;
	s10 =	sld [smem:$0x3FBA]  }
0x3d: {  	_ =	shalt  }
0x3e: {  	_ =	shalt  }
0x3f: {  	_ =	shalt  }
0x40: {  	_ =	shalt  }
0x41: {  	_ =	shalt  }
0x42: {  	_ =	shalt  }
0x43: {  	_ =	shalt  }
0x44: {  	_ =	shalt  }
0x45: {  	_ =	shalt  }
0x46: {  	_ =	shalt  }
0x47: {  	_ =	shalt  }
0x48: {  	_ =	shalt  }
0x49: {  	_ =	shalt  }
0x4a: {  	_ =	shalt  }
0x4b: {  	_ =	shalt  }
0x4c: {  	_ =	shalt  }
0x4d: {  	_ =	shalt  }
0x4e: {  	_ =	shalt  }
0x4f: {  	_ =	shalt  }
0x50: {  	_ =	shalt  }
0x51: {  	_ =	shalt  }
0x52: {  	_ =	shalt  }
0x53: {  	_ =	shalt  }
0x54: {  	_ =	shalt  }
0x55: {  	_ =	shalt  }
0x56: {  	_ =	shalt  }
0x57: {  	_ =	shalt  }
0x58: {  	_ =	shalt  }
0x59: {  	_ =	shalt  }
0x5a: {  	_ =	shalt  }
0x5b: {  	_ =	shalt  }
0x5c: {  	_ =	shalt  }
0x5d: {  	_ =	shalt  }
0x5e: {  	_ =	shalt  }
0x5f: {  	_ =	shalt  }
0x60: {  	_ =	shalt  }
0x61: {  	_ =	shalt  }
0x62: {  	_ =	shalt  }
0x63: {  	_ =	shalt  }
0x64: {  	_ =	shalt  }
0x65: {  	_ =	shalt  }
0x66: {  	_ =	shalt  }
0x67: {  	_ =	shalt  }
0x68: {  	_ =	shalt  }
0x69: {  	_ =	shalt  }
0x6a: {  	_ =	shalt  }
0x6b: {  	_ =	shalt  }
0x6c: {  	_ =	shalt  }
0x6d: {  	_ =	shalt  }
0x6e: {  	_ =	shalt  }
0x6f: {  	_ =	shalt  }
0x70: {  	_ =	shalt  }
0x71: {  	_ =	shalt  }
0x72: {  	_ =	shalt  }
0x73: {  	_ =	shalt  }
0x74: {  	_ =	shalt  }
0x75: {  	_ =	shalt  }
0x76: {  	_ =	shalt  }
0x77: {  	_ =	shalt  }
0x78: {  	_ =	shalt  }
0x79: {  	_ =	shalt  }
0x7a: {  	_ =	shalt  }
0x7b: {  	_ =	shalt  }
0x7c: {  	_ =	shalt  }
0x7d: {  	_ =	shalt  }
0x7e: {  	_ =	shalt  }
0x7f: {  	_ =	shalt  }
0x80: {  	_ =	shalt  }
0x81: {  	_ =	shalt  }
0x82: {  	_ =	shalt  }
0x83: {  	_ =	shalt  }
0x84: {  	_ =	shalt  }
0x85: {  	_ =	shalt  }
0x86: {  	_ =	shalt  }
0x87: {  	_ =	shalt  }
.Lfunc_end0:
.L_simem_size_0:
called_computation_lowered:
.L_overlay_start_0:
0x88: {  	s2 =	sld [smem:$0x3FD9]  }
0x89: {  	s3 =	sld [smem:$0x3FFE];
	_ =	sdelay $0x1  }
0x8a: {  	s1 =	srdreg.scid  }
0x8b: {  	s0 =	sand.u32 $0x1, s1  }
0x8c: {  	s17 =	sshll.u32 s0, $0xA;
	s2 =	sadd.s32 s3, s2  }
0x8d: {  	s2 =	sadd.s32 s2, s17  }
0x8e: {  	[smem:$0x3FC6] =	sst s2  }
0x8f: {  	_ = 	snop  }
0x90: {  	s2 =	sld [smem:$0x3FC9];
	(tm) =	ssettm $0x1  }
0x91: {  	s18 =	sld [smem:$0x3FFB];
	_ =	sdelay $0x3  }
0x92: {  	_ =	strace s18  }
0x93: {  	s3 =	sld [smem:$0x3FFC];
	_ =	sdelay $0x3  }
0x94: {  	_ =	strace s3  }
0x95: {  	s3 =	sld [smem:$0x3FFD];
	_ =	sdelay $0x3  }
0x96: {  	_ =	strace s3  }
0x97: {  	_ =	strace $0x8FFFFFFF  }
0x98: {  	s19 =	sld [smem:$0x3FDB];
	_ =	sdelay $0x1  }
0x99: {  	s4 =	simm.s32 $_scs_section_size  }
0x9a: {  	s5 =	simm.s32 $_size__tile_overlayer_lowered;
	s6 =	simm.s32 $_tile_overlayer_lowered  }
0x9b: {  	s22 =	simm.s32 $0x1BFF;
	s21 =	sshll.u32 s6, $0x1;
	s3 =	sadd.s32 s4, s19  }
0x9c: {  	s7 =	simm.s32 $0x0;
	s20 =	sshll.u32 s5, $0x1;
	s5 =	sadd.s32 s21, s3  }
0x9d: {  	[timem:s7], [sflag:s22] =	dma.local [hbm:s5], s20  }
0x9e: {  	_ =	swait.ge [sflag:s22], s20  }
0x9f: {  	s4 =	ssub.s32 $0x0, s20;
	[sflag:s22] =	ssyncset.done $0x0  }
0xa0: {  	[sflag:s22] =	ssyncadd.s32 s4;
	_ =	sdelay $0x1  }
0xa1: {  	s23 =	simm.s32 $0x1B8B  }
0xa2: {  	_ =	swait.ge [sflag:s23], $0x1  }
0xa3: {  	[sflag:s23] =	ssyncset.done $0x0  }
0xa4: {  	s25 =	simm.s32 $0x1B8E;
	s24 =	sld [smem:$0x3FFE];
	[sflag:s23] =	ssyncadd.s32 $0xFFFFFFFF  }
0xa5: {  	s26 =	simm.s32 $execute0_lowered;
	[smem:$0x3FD2] =	sst s25  }
0xa6: {  	s5 =	sshll.u32 s26, $0x1;
	_ =	strace $0x80000046;
	[dreg:$0x1] =	wrdreg $0xFFFFFFFF  }
0xa7: {  	s28 =	simm.s32 $_size_execute0_lowered;
	s3 =	sadd.s32 s3, s5;
	[dreg:$0x0] =	wrdreg $0x0  }
0xa8: {  	s5 =	sshll.u32 s28, $0x1;
	[dreg:$0x2] =	wrdreg s3  }
0xa9: {  	[dreg:$0x3] =	wrdreg s5  }
0xaa: {  	[dreg:$0x4] =	wrdreg $0xC0  }
0xab: {  	_ =	task [dreg:s7], $0x5FFFF  }
0xac: {  	[dreg:$0x1] =	wrdreg $0xFFFFFFFF  }
0xad: {  	[dreg:$0x0] =	wrdreg $0x60  }
0xae: {  	[dreg:$0x2] =	wrdreg s2  }
0xaf: {  	[dreg:$0x3] =	wrdreg s24  }
0xb0: {  	[dreg:$0x4] =	wrdreg $0x9  }
0xb1: {  	_ =	task.clear_ibuf [dreg:s7], $0x5FFFF;
	_ =	strace $0x90000046  }
0xb2: {  	s29 =	simm.s32 $0x9;
	_ =	strace $0x80000048  }
0xb3: {  	_ =	swait.ge [sflag:s29], $0x1  }
0xb4: {  	[sflag:s29] =	ssyncadd.s32 $0xFFFFFFFF  }
0xb5: {  	_ =	strace $0x90000048  }
0xb6: {  	_ =	sfence  }
0xb7: {  	s30 =	sld [smem:$0x0];
	_ =	sdelay $0x2  }
0xb8: {  	s31 =	sshll.u32 s1, $0xD;
	s1 =	sshrl.u32 s1, $0x2  }
0xb9: {  	s3 =	sand.u32 $0x4000, s31;
	s1 =	sadd.s32 s1, s30  }
0xba: {  	s0 =	sor.u32 s3, s0;
	s1 =	sshll.u32 s1, $0x11  }
0xbb: {  	s0 =	sor.u32 s1, s0  }
0xbc: {  	s0 =	sadd.s32 $0x8F2B, s0  }
0xbd: {  	[sflag:s0] =	ssyncadd.remote.s32 $0x1  }
0xbe: {  	_ =	sfence.sel $0xFFFF  }
0xbf: {  	[dreg:$0x0] =	wrdreg $0xFFFFFFFF;
	(pc) =	sbr.abs _section_cstart, $3  }
0xc0: {  	[dreg:$0x1] =	wrdreg $0xFFFFFFFF  }
0xc1: {  	_ =	task.clear_ibuf [dreg:s7], $0x2FFFF;
	_ =	strace $0x9FFFFFFF  }
0xc2: {  	(tm) =	ssettm $0x7FFFFFFF  }
0xc3: {  	_ =	shalt  }
tec
execute0_lowered:
.L_overlay_start_1:
0x0: {  	(tag) =	ssettag $0x1  }
0x1: {  	s3 =	rddreg [dreg:$0x0]  }
0x2: {  	s4 =	rddreg [dreg:$0x1];
	s2 =	srdreg.scid  }
0x3: {  	s0 =	rddreg [dreg:$0x2];
	s1 =	stileid.u32;
	s5 =	sand.u32 $0x1, s2  }
0x4: {  	s2 =	simm.s32 $0x0;
	s6 =	sshll.u32 s1, $0x9;
	s7 =	sshll.u32 s5, $0x8  }
0x5: {  	[smem:$0x7FF] =	sst s2;
	s5 =	ssub.s32 $0x2, s5;
	s6 =	sor.u32 s7, s6  }
0x6: {  	_ =	strace $0x80000047;
	s8 =	sshrl.u32 s5, $0x1;
	s7 =	sshll.u32 s6, $0x4  }
0x7: {  	v1 =	vlaneseq.u32;
	s5 =	ssub.s32 s5, s8;
	s6 =	sshrl.u32 s6, $0x3;
	s8 =	simm.s32 $0x0  }
0x8: {  	v0 =	vshrl.u32 v1, $0x1;
	s4 =	sadd.s32 s7, s4;
	s3 =	sadd.s32 s3, s6;
	s5 =	smax.u32 s5, $0x1  }
0x9: {  	v2 =	vimm.f32 $0.0e+00;
	v1 =	vand.u32 $0x1, v1;
	v3 =	vor.u32 $0x8, v0;
	s6 =	simm.s32 $0x1;
	s7 =	simm.s32 $0x100;
	s4 =	sadd.s32 $0x600, s4  }
.LBB2_1:
0xa: {  	[tilespmem:s2], [sflag:$0x1] =	stream.linear.gather [hbm4b:s3+s2], $0x100, $0x38;
	[tilespmem:$0x8100] =	vst v63  }
0xb: {  	_ =	swait.ge [sflag:s6], $0x100  }
0xc: {  	[sflag:s6] =	ssyncset.done $0x0  }
0xd: {  	s9 =	simm.s32 $0x0;
	[sflag:s6] =	ssyncadd.s32 $0xFFFFFF00  }
0xe: {  	v4 =	vld [tilespmem:s9+$0x0];
	_ =	sdelay $0x4  }
0xf: {  	vm0 =	vgt.s32 v4, $0x1  }
0x10: {  	v4 =	vnsel vm0, $0x1, v4  }
0x11: {  	v5 =	vbroadcast v4, $0x0  }
0x12: {  	v6 =	vbroadcast v4, $0x1;
	v7 =	vbroadcast v4, $0x2  }
0x13: {  	v8 =	vbroadcast v4, $0x3;
	v56 =	vbroadcast v4, $0x4  }
0x14: {  	v14 =	vbroadcast v4, $0x5;
	v15 =	vbroadcast v4, $0x6  }
0x15: {  	v17 =	vbroadcast v4, $0x7;
	v27 =	vbroadcast v4, $0x8  }
0x16: {  	v30 =	vbroadcast v4, $0x9;
	v39 =	vbroadcast v4, $0xB  }
0x17: {  	v44 =	vbroadcast v4, $0xC;
	v45 =	vbroadcast v4, $0xD  }
0x18: {  	v9 =	vshrl.u32 v5, v0;
	v5 =	vshrl.u32 v5, v3;
	v10 =	vshrl.u32 v6, v0  }
0x19: {  	v49 =	vshrl.u32 v7, v0;
	v51 =	vshrl.u32 v7, v3;
	v53 =	vshrl.u32 v8, v0  }
0x1a: {  	v8 =	vshrl.u32 v8, v3;
	v16 =	vshrl.u32 v56, v0;
	v57 =	vshrl.u32 v14, v0  }
0x1b: {  	v60 =	vshrl.u32 v14, v3;
	v62 =	vshrl.u32 v15, v0;
	v23 =	vshrl.u32 v15, v3  }
0x1c: {  	v25 =	vshrl.u32 v17, v0;
	v26 =	vshrl.u32 v17, v3;
	v28 =	vshrl.u32 v27, v0  }
0x1d: {  	v17 =	vshrl.u32 v27, v3;
	v33 =	vshrl.u32 v30, v0;
	v41 =	vshrl.u32 v39, v0  }
0x1e: {  	v43 =	vshrl.u32 v39, v3;
	v11 =	vand.u32 $0x1, v9;
	vm12 =	vgt.u32 v5, $0x1  }
0x1f: {  	v5 =	vand.u32 $0x1, v5;
	vm1 =	vgt.u32 v9, $0x1;
	vm14 =	vgt.u32 v10, $0x1  }
0x20: {  	vm5 =	vgt.u32 v49, $0x1;
	vm8 =	vgt.u32 v51, $0x1;
	vm10 =	vgt.u32 v53, $0x1  }
0x21: {  	v54 =	vand.u32 $0x1, v8;
	v19 =	vand.u32 $0x1, v57;
	v21 =	vand.u32 $0x1, v26  }
0x22: {  	v22 =	vand.u32 $0x1, v28;
	v31 =	vand.u32 $0x1, v17;
	vm2 =	veq.s32 v11, v1  }
0x23: {  	vm3 =	veq.s32 v5, v1;
	v5 =	vand.u32 $0x1, v10;
	vm1 =	vmand vm1, vm2  }
0x24: {  	vm0 =	vmand vm12, vm3;
	vm13 =	veq.s32 v5, v1;
	v5 =	vshrl.u32 v6, v3  }
0x25: {  	v6 =	vand.u32 $0x1, v51;
	vm12 =	vgt.u32 v8, $0x1;
	v8 =	vshrl.u32 v56, v3  }
0x26: {  	v51 =	vshrl.u32 v45, v0;
	v47 =	vsel vm1, $0x3F800000, v2;
	v48 =	vsel vm0, $0x3F800000, v2  }
0x27: {  	vm0 =	vmand vm14, vm13;
	vm15 =	vgt.u32 v5, $0x1;
	v5 =	vand.u32 $0x1, v5  }
0x28: {  	vm9 =	veq.s32 v6, v1;
	v6 =	vand.u32 $0x1, v53;
	vm13 =	veq.s32 v54, v1  }
0x29: {  	v18 =	vand.u32 $0x1, v8;
	v54 =	vbroadcast v4, $0xE;
	v50 =	vsel vm0, $0x3F800000, v2  }
0x2a: {  	s9 =	simm.s32 $0x500;
	vm4 =	veq.s32 v5, v1;
	v5 =	vand.u32 $0x1, v49;
	vm11 =	veq.s32 v6, v1  }
0x2b: {  	vm14 =	vmand vm12, vm13;
	vm12 =	vgt.u32 v60, $0x1;
	[tilespmem:s9+$0xFFFFFC00] =	vst v47;
	v47 =	vshrl.u32 v44, v0  }
0x2c: {  	vm0 =	vmand vm15, vm4;
	vm6 =	veq.s32 v5, v1;
	v13 =	vsel vm14, $0x3F800000, v2  }
0x2d: {  	vm15 =	vgt.u32 v16, $0x1;
	v16 =	vand.u32 $0x1, v16;
	vm14 =	vgt.u32 v62, $0x1  }
0x2e: {  	vm4 =	vgt.u32 v23, $0x1;
	v56 =	vshrl.u32 v54, v0;
	v5 =	vsel vm0, $0x3F800000, v2  }
0x2f: {  	vm7 =	vmand vm5, vm6;
	vm0 =	vmand vm8, vm9;
	vm6 =	veq.s32 v16, v1  }
0x30: {  	vm8 =	veq.s32 v18, v1;
	[tilespmem:s9+$0xFFFFFD90] =	vst v13;
	v13 =	vand.u32 $0x1, v47;
	v52 =	vsel vm7, $0x3F800000, v2  }
0x31: {  	v12 =	vsel vm0, $0x3F800000, v2;
	vm0 =	vmand vm10, vm11;
	vm7 =	vgt.u32 v8, $0x1  }
0x32: {  	vm10 =	vgt.u32 v57, $0x1;
	vm11 =	veq.s32 v19, v1;
	v8 =	vand.u32 $0x1, v60  }
0x33: {  	v55 =	vsel vm0, $0x3F800000, v2;
	vm0 =	vmand vm15, vm6;
	vm9 =	vmand vm7, vm8  }
0x34: {  	vm13 =	veq.s32 v8, v1;
	v8 =	vand.u32 $0x1, v62;
	vm6 =	vgt.u32 v25, $0x1  }
0x35: {  	[tilespmem:s9+$0xFFFFFD00] =	vst v52;
	v52 =	vshrl.u32 v45, v3;
	v58 =	vsel vm0, $0x3F800000, v2;
	v59 =	vsel vm9, $0x3F800000, v2  }
0x36: {  	vm0 =	vmand vm10, vm11;
	vm15 =	veq.s32 v8, v1;
	v8 =	vand.u32 $0x1, v23  }
0x37: {  	vm9 =	vgt.u32 v26, $0x1;
	vm10 =	veq.s32 v21, v1;
	v23 =	vbroadcast v4, $0xA  }
0x38: {  	v53 =	vand.u32 $0x1, v52;
	v4 =	vbroadcast v4, $0xF;
	v61 =	vsel vm0, $0x3F800000, v2  }
0x39: {  	vm0 =	vmand vm12, vm13;
	vm5 =	veq.s32 v8, v1;
	v8 =	vand.u32 $0x1, v25  }
0x3a: {  	vm11 =	vmand vm9, vm10;
	vm12 =	vgt.u32 v28, $0x1;
	vm13 =	veq.s32 v22, v1;
	[tilespmem:s9+$0xFFFFFE00] =	vst v58  }
0x3b: {  	v22 =	vand.u32 $0x1, v33;
	[tilespmem:s9+$0xFFFFFE10] =	vst v59;
	v58 =	vshrl.u32 v54, v3;
	v59 =	vand.u32 $0x1, v56  }
0x3c: {  	v63 =	vsel vm0, $0x3F800000, v2;
	vm0 =	vmand vm14, vm15;
	vm7 =	veq.s32 v8, v1  }
0x3d: {  	vm1 =	vmand vm12, vm13;
	vm14 =	vgt.u32 v17, $0x1;
	vm15 =	veq.s32 v31, v1  }
0x3e: {  	v32 =	vsel vm11, $0x3F800000, v2;
	v8 =	vshrl.u32 v30, v3;
	v36 =	vshrl.u32 v23, v0  }
0x3f: {  	v38 =	vshrl.u32 v23, v3;
	v60 =	vand.u32 $0x1, v58;
	v24 =	vsel vm0, $0x3F800000, v2  }
0x40: {  	[tilespmem:s9+$0xFFFFFC10] =	vst v48;
	vm0 =	vmand vm4, vm5;
	vm8 =	vmand vm6, vm7;
	vm4 =	vmand vm14, vm15  }
0x41: {  	[tilespmem:s9+$0xFFFFFC80] =	vst v50;
	v34 =	vsel vm1, $0x3F800000, v2;
	vm5 =	vgt.u32 v33, $0x1;
	vm6 =	veq.s32 v22, v1  }
0x42: {  	[tilespmem:s9+$0xFFFFFC90] =	vst v5;
	vm10 =	vgt.u32 v36, $0x1;
	v37 =	vand.u32 $0x1, v36;
	vm12 =	vgt.u32 v38, $0x1  }
0x43: {  	[tilespmem:s9+$0xFFFFFD10] =	vst v12;
	v7 =	vand.u32 $0x1, v38;
	vm14 =	vgt.u32 v41, $0x1;
	v20 =	vsel vm0, $0x3F800000, v2  }
0x44: {  	[tilespmem:s9+$0xFFFFFD80] =	vst v55;
	v29 =	vsel vm8, $0x3F800000, v2;
	v35 =	vsel vm4, $0x3F800000, v2;
	vm7 =	vmand vm5, vm6  }
0x45: {  	[tilespmem:s9+$0xFFFFFE80] =	vst v61;
	vm8 =	vgt.u32 v8, $0x1;
	v8 =	vand.u32 $0x1, v8;
	vm11 =	veq.s32 v37, v1  }
0x46: {  	[tilespmem:s9+$0xFFFFFE90] =	vst v63;
	vm13 =	veq.s32 v7, v1;
	v7 =	vand.u32 $0x1, v41;
	vm6 =	vgt.u32 v43, $0x1  }
0x47: {  	[tilespmem:s9+$0xFFFFFF90] =	vst v32;
	vm4 =	vgt.u32 v52, $0x1;
	vm5 =	veq.s32 v53, v1;
	v5 =	vsel vm7, $0x3F800000, v2  }
0x48: {  	[tilespmem:s9+$0xFFFFFF00] =	vst v24;
	vm9 =	veq.s32 v8, v1;
	vm1 =	vmand vm10, vm11;
	vm15 =	veq.s32 v7, v1  }
0x49: {  	[tilespmem:s9+$0x0] =	vst v34;
	v7 =	vand.u32 $0x1, v43;
	vm10 =	veq.s32 v13, v1;
	v8 =	vshrl.u32 v44, v3  }
0x4a: {  	[tilespmem:s9+$0xFFFFFF10] =	vst v20;
	vm0 =	vmand vm8, vm9;
	v42 =	vsel vm1, $0x3F800000, v2;
	vm1 =	vmand vm14, vm15  }
0x4b: {  	[tilespmem:s9+$0xFFFFFF80] =	vst v29;
	vm7 =	veq.s32 v7, v1;
	vm9 =	vgt.u32 v47, $0x1;
	vm14 =	vgt.u32 v51, $0x1  }
0x4c: {  	[tilespmem:s9+$0x10] =	vst v35;
	v40 =	vsel vm0, $0x3F800000, v2;
	vm0 =	vmand vm12, vm13;
	vm8 =	vmand vm6, vm7  }
0x4d: {  	[tilespmem:s9+$0x80] =	vst v5;
	v48 =	vsel vm1, $0x3F800000, v2;
	vm11 =	vmand vm9, vm10;
	vm12 =	vgt.u32 v8, $0x1  }
0x4e: {  	v8 =	vand.u32 $0x1, v8;
	[tilespmem:s9+$0x100] =	vst v42;
	vm6 =	vgt.u32 v56, $0x1;
	vm7 =	veq.s32 v59, v1  }
0x4f: {  	vm9 =	veq.s32 v60, v1;
	v46 =	vsel vm0, $0x3F800000, v2;
	v49 =	vsel vm8, $0x3F800000, v2;
	[tilespmem:s9+$0x90] =	vst v40  }
0x50: {  	v50 =	vsel vm11, $0x3F800000, v2;
	vm13 =	veq.s32 v8, v1;
	v8 =	vand.u32 $0x1, v51;
	[tilespmem:s9+$0x180] =	vst v48  }
0x51: {  	vm8 =	vgt.u32 v58, $0x1;
	vm0 =	vmand vm12, vm13;
	vm15 =	veq.s32 v8, v1;
	[tilespmem:s9+$0x110] =	vst v46  }
0x52: {  	[tilespmem:s9+$0x190] =	vst v49;
	vm10 =	vmand vm8, vm9;
	v5 =	vsel vm0, $0x3F800000, v2;
	vm0 =	vmand vm14, vm15  }
0x53: {  	[tilespmem:s9+$0x200] =	vst v50;
	v62 =	vsel vm10, $0x3F800000, v2;
	v55 =	vsel vm0, $0x3F800000, v2;
	vm0 =	vmand vm4, vm5  }
0x54: {  	[tilespmem:s9+$0x210] =	vst v5;
	v5 =	vshrl.u32 v4, v0;
	v4 =	vshrl.u32 v4, v3;
	v57 =	vsel vm0, $0x3F800000, v2  }
0x55: {  	[tilespmem:s9+$0x310] =	vst v62;
	vm0 =	vmand vm6, vm7;
	v63 =	vand.u32 $0x1, v5;
	vm11 =	vgt.u32 v5, $0x1  }
0x56: {  	[tilespmem:s9+$0x280] =	vst v55;
	v5 =	vand.u32 $0x1, v4;
	vm13 =	vgt.u32 v4, $0x1;
	vm12 =	veq.s32 v63, v1  }
0x57: {  	v61 =	vsel vm0, $0x3F800000, v2;
	[tilespmem:s9+$0x290] =	vst v57;
	vm14 =	veq.s32 v5, v1;
	vm0 =	vmand vm11, vm12  }
0x58: {  	[tilespmem:s9+$0x300] =	vst v61;
	vm15 =	vmand vm13, vm14;
	v4 =	vsel vm0, $0x3F800000, v2  }
0x59: {  	[tilespmem:s9+$0x380] =	vst v4;
	v4 =	vsel vm15, $0x3F800000, v2  }
0x5a: {  	s11 =	simm.s32 $0x10;
	s10 =	simm.s32 $0x80;
	[tilespmem:s9+$0x390] =	vst v4  }
.LBB2_2:
0x5b: {  	p0 =	sne.s32 s10, $0x3C0;
	v4 =	vld [tilespmem:s11+$0x0];
	_ =	sdelay $0x4  }
0x5c: {  	vm0 =	vgt.s32 v4, $0x1  }
0x5d: {  	v4 =	vnsel vm0, $0x1, v4  }
0x5e: {  	v5 =	vbroadcast v4, $0x0;
	v6 =	vbroadcast v4, $0x1  }
0x5f: {  	v7 =	vbroadcast v4, $0x2;
	v8 =	vbroadcast v4, $0x3  }
0x60: {  	v9 =	vshrl.u32 v5, v0;
	v5 =	vshrl.u32 v5, v3;
	v10 =	vshrl.u32 v6, v0  }
0x61: {  	v11 =	vand.u32 $0x1, v9;
	vm0 =	vgt.u32 v5, $0x1;
	v5 =	vand.u32 $0x1, v5  }
0x62: {  	vm1 =	vgt.u32 v9, $0x1;
	vm2 =	veq.s32 v11, v1;
	vm3 =	veq.s32 v5, v1  }
0x63: {  	v5 =	vand.u32 $0x1, v10;
	vm1 =	vmand vm1, vm2;
	vm0 =	vmand vm0, vm3  }
0x64: {  	s9 =	sadd.s32 $0x800, s9;
	v9 =	vsel vm1, $0x3F800000, v2;
	v11 =	vsel vm0, $0x3F800000, v2;
	vm0 =	veq.s32 v5, v1  }
0x65: {  	vm1 =	vgt.u32 v10, $0x1;
	v5 =	vshrl.u32 v6, v3;
	v6 =	vshrl.u32 v7, v0;
	[tilespmem:s9+$0xFFFFFC00] =	vst v9  }
0x66: {  	vm0 =	vmand vm1, vm0;
	vm1 =	vgt.u32 v5, $0x1;
	v5 =	vand.u32 $0x1, v5;
	[tilespmem:s9+$0xFFFFFC10] =	vst v11  }
0x67: {  	v9 =	vsel vm0, $0x3F800000, v2;
	vm0 =	veq.s32 v5, v1;
	v5 =	vand.u32 $0x1, v6  }
0x68: {  	vm0 =	vmand vm1, vm0;
	vm1 =	vgt.u32 v6, $0x1;
	vm2 =	veq.s32 v5, v1;
	[tilespmem:s9+$0xFFFFFC80] =	vst v9  }
0x69: {  	v6 =	vshrl.u32 v7, v3;
	v5 =	vsel vm0, $0x3F800000, v2;
	vm0 =	vmand vm1, vm2  }
0x6a: {  	[tilespmem:s9+$0xFFFFFC90] =	vst v5;
	v5 =	vsel vm0, $0x3F800000, v2;
	vm0 =	vgt.u32 v6, $0x1;
	v6 =	vand.u32 $0x1, v6  }
0x6b: {  	[tilespmem:s9+$0xFFFFFD00] =	vst v5;
	vm1 =	veq.s32 v6, v1;
	v5 =	vshrl.u32 v8, v0;
	v6 =	vshrl.u32 v8, v3  }
0x6c: {  	vm0 =	vmand vm0, vm1;
	vm1 =	vgt.u32 v5, $0x1;
	v5 =	vand.u32 $0x1, v5  }
0x6d: {  	v7 =	vsel vm0, $0x3F800000, v2;
	vm0 =	veq.s32 v5, v1;
	v5 =	vand.u32 $0x1, v6  }
0x6e: {  	[tilespmem:s9+$0xFFFFFD10] =	vst v7;
	vm0 =	vmand vm1, vm0;
	vm1 =	vgt.u32 v6, $0x1;
	vm2 =	veq.s32 v5, v1  }
0x6f: {  	v6 =	vbroadcast v4, $0x4;
	v5 =	vsel vm0, $0x3F800000, v2;
	vm0 =	vmand vm1, vm2  }
0x70: {  	v8 =	vbroadcast v4, $0x6;
	v7 =	vbroadcast v4, $0x5;
	[tilespmem:s9+$0xFFFFFD80] =	vst v5;
	v5 =	vsel vm0, $0x3F800000, v2  }
0x71: {  	v9 =	vbroadcast v4, $0x7;
	[tilespmem:s9+$0xFFFFFD90] =	vst v5;
	v5 =	vshrl.u32 v6, v0;
	v6 =	vshrl.u32 v6, v3  }
0x72: {  	vm0 =	vgt.u32 v5, $0x1;
	v5 =	vand.u32 $0x1, v5;
	v10 =	vand.u32 $0x1, v6  }
0x73: {  	vm2 =	vgt.u32 v6, $0x1;
	vm1 =	veq.s32 v5, v1;
	vm3 =	veq.s32 v10, v1  }
0x74: {  	v5 =	vshrl.u32 v7, v0;
	vm0 =	vmand vm0, vm1;
	vm1 =	vmand vm2, vm3  }
0x75: {  	v11 =	vand.u32 $0x1, v5;
	v6 =	vsel vm0, $0x3F800000, v2;
	v10 =	vsel vm1, $0x3F800000, v2  }
0x76: {  	vm0 =	vgt.u32 v5, $0x1;
	vm1 =	veq.s32 v11, v1;
	v5 =	vshrl.u32 v7, v3;
	[tilespmem:s9+$0xFFFFFE00] =	vst v6  }
0x77: {  	vm0 =	vmand vm0, vm1;
	vm1 =	vgt.u32 v5, $0x1;
	v5 =	vand.u32 $0x1, v5;
	[tilespmem:s9+$0xFFFFFE10] =	vst v10  }
0x78: {  	v6 =	vsel vm0, $0x3F800000, v2;
	vm0 =	veq.s32 v5, v1;
	v5 =	vshrl.u32 v8, v0  }
0x79: {  	vm0 =	vmand vm1, vm0;
	vm1 =	vgt.u32 v5, $0x1;
	v5 =	vand.u32 $0x1, v5;
	[tilespmem:s9+$0xFFFFFE80] =	vst v6  }
0x7a: {  	v6 =	vsel vm0, $0x3F800000, v2;
	vm0 =	veq.s32 v5, v1;
	v5 =	vshrl.u32 v8, v3  }
0x7b: {  	vm0 =	vmand vm1, vm0;
	vm1 =	vgt.u32 v5, $0x1;
	v5 =	vand.u32 $0x1, v5;
	[tilespmem:s9+$0xFFFFFE90] =	vst v6  }
0x7c: {  	v6 =	vsel vm0, $0x3F800000, v2;
	vm0 =	veq.s32 v5, v1;
	v5 =	vshrl.u32 v9, v0  }
0x7d: {  	vm0 =	vmand vm1, vm0;
	vm1 =	vgt.u32 v5, $0x1;
	v5 =	vand.u32 $0x1, v5;
	[tilespmem:s9+$0xFFFFFF00] =	vst v6  }
0x7e: {  	v6 =	vsel vm0, $0x3F800000, v2;
	vm0 =	veq.s32 v5, v1;
	v5 =	vshrl.u32 v9, v3  }
0x7f: {  	vm0 =	vmand vm1, vm0;
	vm1 =	vgt.u32 v5, $0x1;
	v5 =	vand.u32 $0x1, v5;
	[tilespmem:s9+$0xFFFFFF10] =	vst v6  }
0x80: {  	v6 =	vsel vm0, $0x3F800000, v2;
	vm0 =	veq.s32 v5, v1;
	v5 =	vbroadcast v4, $0x8  }
0x81: {  	v7 =	vbroadcast v4, $0xA;
	vm0 =	vmand vm1, vm0;
	[tilespmem:s9+$0xFFFFFF80] =	vst v6;
	v6 =	vbroadcast v4, $0x9  }
0x82: {  	v8 =	vsel vm0, $0x3F800000, v2;
	v9 =	vshrl.u32 v5, v0;
	v5 =	vshrl.u32 v5, v3  }
0x83: {  	vm0 =	vgt.u32 v9, $0x1;
	[tilespmem:s9+$0xFFFFFF90] =	vst v8;
	v8 =	vand.u32 $0x1, v9;
	v9 =	vand.u32 $0x1, v5  }
0x84: {  	vm2 =	vgt.u32 v5, $0x1;
	vm1 =	veq.s32 v8, v1;
	vm3 =	veq.s32 v9, v1  }
0x85: {  	v5 =	vshrl.u32 v6, v0;
	vm0 =	vmand vm0, vm1;
	vm1 =	vmand vm2, vm3  }
0x86: {  	v10 =	vand.u32 $0x1, v5;
	v8 =	vsel vm0, $0x3F800000, v2;
	v9 =	vsel vm1, $0x3F800000, v2  }
0x87: {  	vm0 =	vgt.u32 v5, $0x1;
	vm1 =	veq.s32 v10, v1;
	v5 =	vshrl.u32 v6, v3;
	[tilespmem:s9+$0x0] =	vst v8  }
0x88: {  	vm0 =	vmand vm0, vm1;
	vm1 =	vgt.u32 v5, $0x1;
	v5 =	vand.u32 $0x1, v5;
	[tilespmem:s9+$0x10] =	vst v9  }
0x89: {  	v6 =	vsel vm0, $0x3F800000, v2;
	vm0 =	veq.s32 v5, v1;
	v5 =	vshrl.u32 v7, v0  }
0x8a: {  	vm0 =	vmand vm1, vm0;
	vm1 =	vgt.u32 v5, $0x1;
	v5 =	vand.u32 $0x1, v5;
	[tilespmem:s9+$0x80] =	vst v6  }
0x8b: {  	v6 =	vsel vm0, $0x3F800000, v2;
	vm0 =	veq.s32 v5, v1;
	v5 =	vshrl.u32 v7, v3  }
0x8c: {  	vm0 =	vmand vm1, vm0;
	vm1 =	vgt.u32 v5, $0x1;
	v5 =	vand.u32 $0x1, v5;
	[tilespmem:s9+$0x90] =	vst v6  }
0x8d: {  	v6 =	vsel vm0, $0x3F800000, v2;
	vm0 =	veq.s32 v5, v1;
	v5 =	vbroadcast v4, $0xB  }
0x8e: {  	v7 =	vbroadcast v4, $0xD;
	vm0 =	vmand vm1, vm0;
	[tilespmem:s9+$0x100] =	vst v6;
	v6 =	vbroadcast v4, $0xC  }
0x8f: {  	v8 =	vsel vm0, $0x3F800000, v2;
	v9 =	vshrl.u32 v5, v0;
	v5 =	vshrl.u32 v5, v3  }
0x90: {  	vm0 =	vgt.u32 v9, $0x1;
	[tilespmem:s9+$0x110] =	vst v8;
	v8 =	vand.u32 $0x1, v9;
	v9 =	vand.u32 $0x1, v5  }
0x91: {  	vm2 =	vgt.u32 v5, $0x1;
	vm1 =	veq.s32 v8, v1;
	vm3 =	veq.s32 v9, v1  }
0x92: {  	v5 =	vshrl.u32 v6, v0;
	vm0 =	vmand vm0, vm1;
	vm1 =	vmand vm2, vm3  }
0x93: {  	v10 =	vand.u32 $0x1, v5;
	v8 =	vsel vm0, $0x3F800000, v2;
	v9 =	vsel vm1, $0x3F800000, v2  }
0x94: {  	vm0 =	vgt.u32 v5, $0x1;
	vm1 =	veq.s32 v10, v1;
	v5 =	vshrl.u32 v6, v3;
	[tilespmem:s9+$0x180] =	vst v8  }
0x95: {  	vm0 =	vmand vm0, vm1;
	vm1 =	vgt.u32 v5, $0x1;
	v5 =	vand.u32 $0x1, v5;
	[tilespmem:s9+$0x190] =	vst v9  }
0x96: {  	v6 =	vsel vm0, $0x3F800000, v2;
	vm0 =	veq.s32 v5, v1;
	v5 =	vshrl.u32 v7, v0  }
0x97: {  	vm0 =	vmand vm1, vm0;
	vm1 =	vgt.u32 v5, $0x1;
	v5 =	vand.u32 $0x1, v5;
	[tilespmem:s9+$0x200] =	vst v6  }
0x98: {  	v6 =	vsel vm0, $0x3F800000, v2;
	vm0 =	veq.s32 v5, v1;
	v5 =	vshrl.u32 v7, v3  }
0x99: {  	vm0 =	vmand vm1, vm0;
	vm1 =	vgt.u32 v5, $0x1;
	v5 =	vand.u32 $0x1, v5;
	[tilespmem:s9+$0x210] =	vst v6  }
0x9a: {  	v6 =	vsel vm0, $0x3F800000, v2;
	vm0 =	veq.s32 v5, v1;
	v5 =	vbroadcast v4, $0xE  }
0x9b: {  	v4 =	vbroadcast v4, $0xF;
	vm0 =	vmand vm1, vm0;
	[tilespmem:s9+$0x280] =	vst v6  }
0x9c: {  	v6 =	vsel vm0, $0x3F800000, v2;
	v7 =	vshrl.u32 v5, v0;
	v5 =	vshrl.u32 v5, v3  }
0x9d: {  	vm0 =	vgt.u32 v7, $0x1;
	[tilespmem:s9+$0x290] =	vst v6;
	v6 =	vand.u32 $0x1, v7;
	v7 =	vand.u32 $0x1, v5  }
0x9e: {  	vm2 =	vgt.u32 v5, $0x1;
	vm1 =	veq.s32 v6, v1;
	vm3 =	veq.s32 v7, v1  }
0x9f: {  	v5 =	vshrl.u32 v4, v0;
	vm0 =	vmand vm0, vm1;
	vm1 =	vmand vm2, vm3  }
0xa0: {  	v8 =	vand.u32 $0x1, v5;
	v6 =	vsel vm0, $0x3F800000, v2;
	v7 =	vsel vm1, $0x3F800000, v2  }
0xa1: {  	v4 =	vshrl.u32 v4, v3;
	vm0 =	vgt.u32 v5, $0x1;
	vm1 =	veq.s32 v8, v1;
	[tilespmem:s9+$0x300] =	vst v6  }
.Ltmp0:
0xa2: {  	vm0 =	vmand vm0, vm1;
	vm1 =	vgt.u32 v4, $0x1;
	v4 =	vand.u32 $0x1, v4;
	[tilespmem:s9+$0x310] =	vst v7;
	(pc) =	sbr.rel @p0 .LBB2_2-.Ltmp0, $4  }
0xa3: {  	v5 =	vsel vm0, $0x3F800000, v2;
	vm0 =	veq.s32 v4, v1  }
0xa4: {  	vm0 =	vmand vm1, vm0;
	[tilespmem:s9+$0x380] =	vst v5  }
0xa5: {  	v4 =	vsel vm0, $0x3F800000, v2  }
0xa6: {  	s11 =	sshra.s32 s10, $0x2;
	s10 =	sadd.s32 $0x40, s10;
	[tilespmem:s9+$0x390] =	vst v4  }
0xa7: {  	v4 =	vld [tilespmem:s11+$0x0];
	_ =	sdelay $0x4  }
0xa8: {  	vm0 =	vgt.s32 v4, $0x1  }
0xa9: {  	v4 =	vnsel vm0, $0x1, v4  }
0xaa: {  	v5 =	vbroadcast v4, $0x0  }
0xab: {  	v6 =	vbroadcast v4, $0x1;
	v7 =	vbroadcast v4, $0x2  }
0xac: {  	v8 =	vbroadcast v4, $0x3;
	v56 =	vbroadcast v4, $0x4  }
0xad: {  	v14 =	vbroadcast v4, $0x5;
	v15 =	vbroadcast v4, $0x6  }
0xae: {  	v17 =	vbroadcast v4, $0x7;
	v27 =	vbroadcast v4, $0x8  }
0xaf: {  	v30 =	vbroadcast v4, $0x9;
	v39 =	vbroadcast v4, $0xB  }
0xb0: {  	v44 =	vbroadcast v4, $0xC;
	v45 =	vbroadcast v4, $0xD  }
0xb1: {  	v9 =	vshrl.u32 v5, v0;
	v5 =	vshrl.u32 v5, v3;
	v10 =	vshrl.u32 v6, v0  }
0xb2: {  	v49 =	vshrl.u32 v7, v0;
	v51 =	vshrl.u32 v7, v3;
	v53 =	vshrl.u32 v8, v0  }
0xb3: {  	v8 =	vshrl.u32 v8, v3;
	v16 =	vshrl.u32 v56, v0;
	v57 =	vshrl.u32 v14, v0  }
0xb4: {  	v60 =	vshrl.u32 v14, v3;
	v62 =	vshrl.u32 v15, v0;
	v23 =	vshrl.u32 v15, v3  }
0xb5: {  	v25 =	vshrl.u32 v17, v0;
	v26 =	vshrl.u32 v17, v3;
	v28 =	vshrl.u32 v27, v0  }
0xb6: {  	v17 =	vshrl.u32 v27, v3;
	v33 =	vshrl.u32 v30, v0;
	v41 =	vshrl.u32 v39, v0  }
0xb7: {  	v43 =	vshrl.u32 v39, v3;
	v11 =	vand.u32 $0x1, v9;
	vm12 =	vgt.u32 v5, $0x1  }
0xb8: {  	v5 =	vand.u32 $0x1, v5;
	vm1 =	vgt.u32 v9, $0x1;
	vm14 =	vgt.u32 v10, $0x1  }
0xb9: {  	vm5 =	vgt.u32 v49, $0x1;
	vm8 =	vgt.u32 v51, $0x1;
	vm10 =	vgt.u32 v53, $0x1  }
0xba: {  	v54 =	vand.u32 $0x1, v8;
	v19 =	vand.u32 $0x1, v57;
	v21 =	vand.u32 $0x1, v26  }
0xbb: {  	v22 =	vand.u32 $0x1, v28;
	v31 =	vand.u32 $0x1, v17;
	vm2 =	veq.s32 v11, v1  }
0xbc: {  	vm3 =	veq.s32 v5, v1;
	v5 =	vand.u32 $0x1, v10;
	vm1 =	vmand vm1, vm2  }
0xbd: {  	vm0 =	vmand vm12, vm3;
	vm13 =	veq.s32 v5, v1;
	v5 =	vshrl.u32 v6, v3  }
0xbe: {  	v6 =	vand.u32 $0x1, v51;
	vm12 =	vgt.u32 v8, $0x1;
	v8 =	vshrl.u32 v56, v3  }
0xbf: {  	v51 =	vshrl.u32 v45, v0;
	v47 =	vsel vm1, $0x3F800000, v2;
	v48 =	vsel vm0, $0x3F800000, v2  }
0xc0: {  	vm0 =	vmand vm14, vm13;
	vm15 =	vgt.u32 v5, $0x1;
	v5 =	vand.u32 $0x1, v5  }
0xc1: {  	vm9 =	veq.s32 v6, v1;
	v6 =	vand.u32 $0x1, v53;
	vm13 =	veq.s32 v54, v1  }
0xc2: {  	v18 =	vand.u32 $0x1, v8;
	v54 =	vbroadcast v4, $0xE;
	v50 =	vsel vm0, $0x3F800000, v2  }
0xc3: {  	s9 =	sadd.s32 $0x800, s9;
	vm4 =	veq.s32 v5, v1;
	v5 =	vand.u32 $0x1, v49;
	vm11 =	veq.s32 v6, v1  }
0xc4: {  	vm14 =	vmand vm12, vm13;
	vm12 =	vgt.u32 v60, $0x1;
	[tilespmem:s9+$0xFFFFFC00] =	vst v47;
	v47 =	vshrl.u32 v44, v0  }
0xc5: {  	vm0 =	vmand vm15, vm4;
	vm6 =	veq.s32 v5, v1;
	v13 =	vsel vm14, $0x3F800000, v2  }
0xc6: {  	vm15 =	vgt.u32 v16, $0x1;
	v16 =	vand.u32 $0x1, v16;
	vm14 =	vgt.u32 v62, $0x1  }
0xc7: {  	vm4 =	vgt.u32 v23, $0x1;
	v56 =	vshrl.u32 v54, v0;
	v5 =	vsel vm0, $0x3F800000, v2  }
0xc8: {  	vm7 =	vmand vm5, vm6;
	vm0 =	vmand vm8, vm9;
	vm6 =	veq.s32 v16, v1  }
0xc9: {  	vm8 =	veq.s32 v18, v1;
	[tilespmem:s9+$0xFFFFFD90] =	vst v13;
	v13 =	vand.u32 $0x1, v47;
	v52 =	vsel vm7, $0x3F800000, v2  }
0xca: {  	v12 =	vsel vm0, $0x3F800000, v2;
	vm0 =	vmand vm10, vm11;
	vm7 =	vgt.u32 v8, $0x1  }
0xcb: {  	vm10 =	vgt.u32 v57, $0x1;
	vm11 =	veq.s32 v19, v1;
	v8 =	vand.u32 $0x1, v60  }
0xcc: {  	v55 =	vsel vm0, $0x3F800000, v2;
	vm0 =	vmand vm15, vm6;
	vm9 =	vmand vm7, vm8  }
0xcd: {  	vm13 =	veq.s32 v8, v1;
	v8 =	vand.u32 $0x1, v62;
	vm6 =	vgt.u32 v25, $0x1  }
0xce: {  	[tilespmem:s9+$0xFFFFFD00] =	vst v52;
	v52 =	vshrl.u32 v45, v3;
	v58 =	vsel vm0, $0x3F800000, v2;
	v59 =	vsel vm9, $0x3F800000, v2  }
0xcf: {  	vm0 =	vmand vm10, vm11;
	vm15 =	veq.s32 v8, v1;
	v8 =	vand.u32 $0x1, v23  }
0xd0: {  	vm9 =	vgt.u32 v26, $0x1;
	vm10 =	veq.s32 v21, v1;
	v23 =	vbroadcast v4, $0xA  }
0xd1: {  	v53 =	vand.u32 $0x1, v52;
	v4 =	vbroadcast v4, $0xF;
	v61 =	vsel vm0, $0x3F800000, v2  }
0xd2: {  	vm0 =	vmand vm12, vm13;
	vm5 =	veq.s32 v8, v1;
	v8 =	vand.u32 $0x1, v25  }
0xd3: {  	vm11 =	vmand vm9, vm10;
	vm12 =	vgt.u32 v28, $0x1;
	vm13 =	veq.s32 v22, v1;
	[tilespmem:s9+$0xFFFFFE00] =	vst v58  }
0xd4: {  	v22 =	vand.u32 $0x1, v33;
	[tilespmem:s9+$0xFFFFFE10] =	vst v59;
	v58 =	vshrl.u32 v54, v3;
	v59 =	vand.u32 $0x1, v56  }
0xd5: {  	v63 =	vsel vm0, $0x3F800000, v2;
	vm0 =	vmand vm14, vm15;
	vm7 =	veq.s32 v8, v1  }
0xd6: {  	vm1 =	vmand vm12, vm13;
	vm14 =	vgt.u32 v17, $0x1;
	vm15 =	veq.s32 v31, v1  }
0xd7: {  	v32 =	vsel vm11, $0x3F800000, v2;
	v8 =	vshrl.u32 v30, v3;
	v36 =	vshrl.u32 v23, v0  }
0xd8: {  	v38 =	vshrl.u32 v23, v3;
	v60 =	vand.u32 $0x1, v58;
	v24 =	vsel vm0, $0x3F800000, v2  }
0xd9: {  	[tilespmem:s9+$0xFFFFFC10] =	vst v48;
	vm0 =	vmand vm4, vm5;
	vm8 =	vmand vm6, vm7;
	vm4 =	vmand vm14, vm15  }
0xda: {  	[tilespmem:s9+$0xFFFFFC80] =	vst v50;
	v34 =	vsel vm1, $0x3F800000, v2;
	vm5 =	vgt.u32 v33, $0x1;
	vm6 =	veq.s32 v22, v1  }
0xdb: {  	[tilespmem:s9+$0xFFFFFC90] =	vst v5;
	vm10 =	vgt.u32 v36, $0x1;
	v37 =	vand.u32 $0x1, v36;
	vm12 =	vgt.u32 v38, $0x1  }
0xdc: {  	[tilespmem:s9+$0xFFFFFD10] =	vst v12;
	v7 =	vand.u32 $0x1, v38;
	vm14 =	vgt.u32 v41, $0x1;
	v20 =	vsel vm0, $0x3F800000, v2  }
0xdd: {  	[tilespmem:s9+$0xFFFFFD80] =	vst v55;
	v29 =	vsel vm8, $0x3F800000, v2;
	v35 =	vsel vm4, $0x3F800000, v2;
	vm7 =	vmand vm5, vm6  }
0xde: {  	[tilespmem:s9+$0xFFFFFE80] =	vst v61;
	vm8 =	vgt.u32 v8, $0x1;
	v8 =	vand.u32 $0x1, v8;
	vm11 =	veq.s32 v37, v1  }
0xdf: {  	[tilespmem:s9+$0xFFFFFE90] =	vst v63;
	vm13 =	veq.s32 v7, v1;
	v7 =	vand.u32 $0x1, v41;
	vm6 =	vgt.u32 v43, $0x1  }
0xe0: {  	[tilespmem:s9+$0xFFFFFF90] =	vst v32;
	vm4 =	vgt.u32 v52, $0x1;
	vm5 =	veq.s32 v53, v1;
	v5 =	vsel vm7, $0x3F800000, v2  }
0xe1: {  	[tilespmem:s9+$0xFFFFFF00] =	vst v24;
	vm9 =	veq.s32 v8, v1;
	vm1 =	vmand vm10, vm11;
	vm15 =	veq.s32 v7, v1  }
0xe2: {  	[tilespmem:s9+$0x0] =	vst v34;
	v7 =	vand.u32 $0x1, v43;
	vm10 =	veq.s32 v13, v1;
	v8 =	vshrl.u32 v44, v3  }
0xe3: {  	[tilespmem:s9+$0xFFFFFF10] =	vst v20;
	vm0 =	vmand vm8, vm9;
	v42 =	vsel vm1, $0x3F800000, v2;
	vm1 =	vmand vm14, vm15  }
0xe4: {  	[tilespmem:s9+$0xFFFFFF80] =	vst v29;
	vm7 =	veq.s32 v7, v1;
	vm9 =	vgt.u32 v47, $0x1;
	vm14 =	vgt.u32 v51, $0x1  }
0xe5: {  	[tilespmem:s9+$0x10] =	vst v35;
	v40 =	vsel vm0, $0x3F800000, v2;
	vm0 =	vmand vm12, vm13;
	vm8 =	vmand vm6, vm7  }
0xe6: {  	[tilespmem:s9+$0x80] =	vst v5;
	v48 =	vsel vm1, $0x3F800000, v2;
	vm11 =	vmand vm9, vm10;
	vm12 =	vgt.u32 v8, $0x1  }
0xe7: {  	v8 =	vand.u32 $0x1, v8;
	[tilespmem:s9+$0x100] =	vst v42;
	vm6 =	vgt.u32 v56, $0x1;
	vm7 =	veq.s32 v59, v1  }
0xe8: {  	vm9 =	veq.s32 v60, v1;
	v46 =	vsel vm0, $0x3F800000, v2;
	v49 =	vsel vm8, $0x3F800000, v2;
	[tilespmem:s9+$0x90] =	vst v40  }
0xe9: {  	v50 =	vsel vm11, $0x3F800000, v2;
	vm13 =	veq.s32 v8, v1;
	v8 =	vand.u32 $0x1, v51;
	[tilespmem:s9+$0x180] =	vst v48  }
0xea: {  	vm8 =	vgt.u32 v58, $0x1;
	vm0 =	vmand vm12, vm13;
	vm15 =	veq.s32 v8, v1;
	[tilespmem:s9+$0x110] =	vst v46  }
0xeb: {  	[tilespmem:s9+$0x190] =	vst v49;
	vm10 =	vmand vm8, vm9;
	v5 =	vsel vm0, $0x3F800000, v2;
	vm0 =	vmand vm14, vm15  }
0xec: {  	[tilespmem:s9+$0x200] =	vst v50;
	v62 =	vsel vm10, $0x3F800000, v2;
	v55 =	vsel vm0, $0x3F800000, v2;
	vm0 =	vmand vm4, vm5  }
0xed: {  	[tilespmem:s9+$0x210] =	vst v5;
	v5 =	vshrl.u32 v4, v0;
	v4 =	vshrl.u32 v4, v3;
	v57 =	vsel vm0, $0x3F800000, v2  }
0xee: {  	[tilespmem:s9+$0x310] =	vst v62;
	vm0 =	vmand vm6, vm7;
	v63 =	vand.u32 $0x1, v5;
	vm11 =	vgt.u32 v5, $0x1  }
0xef: {  	[tilespmem:s9+$0x280] =	vst v55;
	v5 =	vand.u32 $0x1, v4;
	vm13 =	vgt.u32 v4, $0x1;
	vm12 =	veq.s32 v63, v1  }
0xf0: {  	v61 =	vsel vm0, $0x3F800000, v2;
	[tilespmem:s9+$0x290] =	vst v57;
	vm14 =	veq.s32 v5, v1;
	vm0 =	vmand vm11, vm12  }
0xf1: {  	s8 =	sadd.s32 $0x1, s8;
	[tilespmem:s9+$0x300] =	vst v61;
	vm15 =	vmand vm13, vm14;
	v4 =	vsel vm0, $0x3F800000, v2  }
0xf2: {  	p0 =	sne.s32 s8, s5;
	[tilespmem:s9+$0x380] =	vst v4;
	v4 =	vsel vm15, $0x3F800000, v2  }
.Ltmp1:
0xf3: {  	[tilespmem:s9+$0x390] =	vst v4;
	(pc) =	sbr.rel @p0 .LBB2_1-.Ltmp1, $4  }
0xf4: {  	[hbm4b:s4+s2] =	stream.linear.scatter [tilespmem:s7], [sflag:$0x1], $0x8000, $0x38;
	[tilespmem:$0x8100] =	vst v63  }
0xf5: {  	_ =	swait.ge [sflag:s6], $0x8000  }
0xf6: {  	[sflag:s6] =	ssyncset.done $0x0  }
0xf7: {  	[sflag:s6] =	ssyncadd.s32 $0xFFFF8000  }
0xf8: {  	_ =	sfence.sel $0x180000  }
0xf9: {  	[bflag:$0x0] =	sbarrier.arrive $0xFFFF  }
0xfa: {  	p0 =	sne.s32 s1, $0x0;
	_ =	strace $0x90000047  }
0xfb: {  	s0 =	sadd.s32 @!p0 $0x100000, s0;
	[bflag:$0x2] =	sbarrier.arrive $0xFFFF  }
0xfc: {  	[sflag:s0] =	ssyncadd.tile.s32 @!p0 $0x1;
	_ =	shalt  }
.Lfunc_end2:
_tile_overlayer_lowered:
.L_overlay_start_2:
0xfd: {  	(tag) =	ssettag $0x2  }
0xfe: {  	s0 =	rddreg [dreg:$0x0];
	s2 =	stileid.u32  }
0xff: {  	s1 =	rddreg [dreg:$0x1];
	p0 =	sne.s32 s2, $0x0  }
0x100: {  	s3 =	rddreg [dreg:$0x2];
	[bflag:$0x3] =	sbarrier.arrive $0xFFFF;
	s2 =	simm.s32 @!p0 $0x1C01  }
0x101: {  	[timem:s3], [sflag:s2] =	dma.local @!p0 [hbm:s0], s1  }
0x102: {  	s0 =	simm.s32 @!p0 $0x1  }
0x103: {  	_ =	swait.ge @!p0 [sflag:s0], s1  }
0x104: {  	s1 =	ssub.s32 @!p0 $0x0, s1;
	[sflag:s0] =	ssyncset.done @!p0 $0x0  }
0x105: {  	[sflag:s0] =	ssyncadd.s32 @!p0 s1  }
0x106: {  	[bflag:$0x3] =	sbarrier.arrive $0xFFFF  }
0x107: {  	_ =	shalt  }

</sc_bundles>
